<compile_context>
chip_gen: v7x
topology: tpu7x:2x2x1
jax: 0.10.2.dev20260603
libtpu: 0.0.44.dev20260713+nightly
codegen_flags: <defaults>
</compile_context>

<pallas_src>
import functools

import jax
import jax.numpy as jnp
from jax import lax
from jax.experimental import pallas as pl
from jax.experimental.pallas import tpu as pltpu
from jax.experimental.pallas import tpu_sc as plsc

_LN_EPS = 1e-5
_CH = 128
_NC = 2
_NS = 16


def _ln(v, g, bt):
    mu = jnp.mean(v, axis=-1, keepdims=True)
    var = jnp.mean((v - mu) * (v - mu), axis=-1, keepdims=True)
    return (v - mu) * lax.rsqrt(var + _LN_EPS) * g + bt


def _y_body(xp_ref, xn_ref, g_ref, bt_ref, wn_ref, y_ref):
    g = g_ref[...]
    bt = bt_ref[...]
    x = jnp.concatenate([_ln(xp_ref[...], g, bt), _ln(xn_ref[...], g, bt)],
                        axis=1)
    y = jnp.dot(x, wn_ref[...], preferred_element_type=jnp.float32)
    y = y.astype(jnp.bfloat16)
    d_half = y.shape[1] // 2
    y_ref[0] = y[:, :d_half]
    y_ref[1] = y[:, d_half:]


def _root_body(xp_ref, xn_ref, g_ref, bt_ref, wr_ref, b_ref, root_ref):
    g = g_ref[...]
    bt = bt_ref[...]
    x = jnp.concatenate([_ln(xp_ref[...], g, bt), _ln(xn_ref[...], g, bt)],
                        axis=1)
    root_ref[...] = (
        jnp.dot(x, wr_ref[...], preferred_element_type=jnp.float32) + b_ref[...]
    )


def _combine_body(root_ref, p0_ref, p1_ref, out_ref):
    agg = jnp.concatenate([p0_ref[0], p1_ref[0]], axis=1).astype(jnp.float32)
    out_ref[...] = root_ref[...] + agg


def _make_sc_kernel(n_pad, k, ch, dh):
    rows_per_sub = n_pad // _NS
    mesh = plsc.VectorSubcoreMesh(core_axis_name="c", subcore_axis_name="s")
    nbuf = 6

    @functools.partial(
        pl.kernel,
        out_type=jax.ShapeDtypeStruct((_NC, n_pad, dh), jnp.bfloat16),
        mesh=mesh,
        scratch_types=[
            pltpu.VMEM((k, ch), jnp.int32),
            pltpu.VMEM((k, ch), jnp.int32),
            pltpu.VMEM((nbuf, ch, dh), jnp.bfloat16),
            pltpu.VMEM_SHARED((n_pad, dh), jnp.bfloat16),
            pltpu.SemaphoreType.DMA,
            pltpu.SemaphoreType.DMA,
        ],
        compiler_params=pltpu.CompilerParams(use_tc_tiling_on_sc=False),
    )
    def sc_kernel(y_hbm, ei_hbm, zeros_hbm, out_hbm,
                  src_v, dst_v, rows_v, acc, gsem, ssem):
        c = lax.axis_index("c")
        s = lax.axis_index("s")
        pltpu.sync_copy(ei_hbm.at[0, s], src_v)
        pltpu.sync_copy(ei_hbm.at[1, s], dst_v)
        row0 = s * rows_per_sub
        pltpu.sync_copy(zeros_hbm.at[pl.ds(row0, rows_per_sub)],
                        acc.at[pl.ds(row0, rows_per_sub)])
        plsc.subcore_barrier()

        def gather(j, slot):
            pltpu.async_copy(y_hbm.at[c].at[src_v.at[j]], rows_v.at[slot],
                             gsem)

        def scatter(j, slot):
            pltpu.async_copy(rows_v.at[slot], acc.at[dst_v.at[j]], ssem,
                             add=True)

        def wait(sem):
            pltpu.make_async_copy(zeros_hbm.at[pl.ds(0, ch)],
                                  rows_v.at[0], sem).wait()

        for j in range(min(4, k)):
            gather(j, j % nbuf)

        def body(j, carry):
            @pl.when(j >= 2)
            def _():
                wait(ssem)
            @pl.when(j + 4 < k)
            def _():
                gather(j + 4, lax.rem(j + 4, nbuf))
            wait(gsem)
            scatter(j, lax.rem(j, nbuf))
            return carry

        lax.fori_loop(0, k, body, 0)
        for _ in range(min(2, k)):
            wait(ssem)
        plsc.subcore_barrier()
        pltpu.sync_copy(acc.at[pl.ds(row0, rows_per_sub)],
                        out_hbm.at[c, pl.ds(row0, rows_per_sub)])

    return sc_kernel


def kernel(x_prev, x_same, x_next, edge_index, ln_gamma, ln_beta,
           W_root, W_neigh, b):
    n, d_prev = x_prev.shape
    d_out = W_root.shape[1]
    dh = d_out // 2
    e = edge_index.shape[1]

    ch = None
    if e % _NS == 0:
        per_sub = e // _NS
        for cand in range(128, 7, -8):
            if per_sub % cand == 0:
                ch = cand
                break
    if ch is None:
        ch = _CH
    k = -(-e // (_NS * ch))
    e_pad = _NS * ch * k
    ny = n + 16
    n_pad = -(-(n + 1) // (_NS * 8)) * (_NS * 8)

    g2 = ln_gamma.reshape(1, -1)
    bt2 = ln_beta.reshape(1, -1)
    bn = 2000
    grid = (n // bn,)
    row_spec = pl.BlockSpec((bn, d_prev), lambda i: (i, 0))
    vec_spec = pl.BlockSpec((1, d_prev), lambda i: (0, 0))

    y = pl.pallas_call(
        _y_body,
        grid=grid,
        in_specs=[row_spec, row_spec, vec_spec, vec_spec,
                  pl.BlockSpec(W_neigh.shape, lambda i: (0, 0))],
        out_specs=pl.BlockSpec((2, bn, dh), lambda i: (0, i, 0)),
        out_shape=jax.ShapeDtypeStruct((2, ny, dh), jnp.bfloat16),
    )(x_prev, x_next, g2, bt2, W_neigh)

    npad_e = e_pad - e
    if npad_e:
        pad_src = jnp.full((1, npad_e), n, jnp.int32)
        pad_dst = (n + jnp.arange(npad_e, dtype=jnp.int32) % (n_pad - n))[None]
        ei = jnp.concatenate(
            [edge_index, jnp.concatenate([pad_src, pad_dst], 0)], axis=1)
    else:
        ei = edge_index
    ei = ei.reshape(2, _NS, k, ch)
    zeros = jnp.zeros((n_pad, dh), jnp.bfloat16)

    partials = _make_sc_kernel(n_pad, k, ch, dh)(y, ei, zeros)

    root = pl.pallas_call(
        _root_body,
        grid=grid,
        in_specs=[row_spec, row_spec, vec_spec, vec_spec,
                  pl.BlockSpec(W_root.shape, lambda i: (0, 0)),
                  pl.BlockSpec((1, d_out), lambda i: (0, 0))],
        out_specs=pl.BlockSpec((bn, d_out), lambda i: (i, 0)),
        out_shape=jax.ShapeDtypeStruct((n, d_out), jnp.float32),
    )(x_prev, x_next, g2, bt2, W_root, b.reshape(1, -1))

    out = pl.pallas_call(
        _combine_body,
        grid=grid,
        in_specs=[
            pl.BlockSpec((bn, d_out), lambda i: (i, 0)),
            pl.BlockSpec((1, bn, dh), lambda i: (0, i, 0)),
            pl.BlockSpec((1, bn, dh), lambda i: (1, i, 0)),
        ],
        out_specs=pl.BlockSpec((bn, d_out), lambda i: (i, 0)),
        out_shape=jax.ShapeDtypeStruct((n, d_out), jnp.float32),
    )(root, partials, partials)
    return out

# --- scband reference (transcript-rebuilt; emitter-appended) ---
"""Pipeline reference for scband-gnntow-down-forward-12850542149838 (READ-ONLY COPY).

The authoritative reference and input builder live on the scoring server;
editing this copy changes nothing except your own understanding.
"""

import jax, jax.numpy as jnp
import numpy as np

N = 10000
E = 320000
D_PREV = 128
D_NEXT = 128
D_IN = D_PREV + D_NEXT  # 256
D_OUT = 128


def layer_norm(x, gamma, beta, eps=1e-5):
    mu = jnp.mean(x, axis=-1, keepdims=True)
    var = jnp.var(x, axis=-1, keepdims=True)
    return (x - mu) / jnp.sqrt(var + eps) * gamma + beta


def setup_inputs(seed: int = 0) -> dict:
    key = jax.random.key(seed)
    ks = jax.random.split(key, 8)
    x_prev = jax.random.normal(ks[0], (N, D_PREV), dtype=jnp.float32)
    x_same = jax.random.normal(ks[1], (N, D_OUT), dtype=jnp.float32)
    x_next = jax.random.normal(ks[2], (N, D_NEXT), dtype=jnp.float32)
    edge_index = jax.random.randint(ks[3], (2, E), 0, N, dtype=jnp.int32)
    # LayerNormalization learned params (shared norm module, applied to 128-dim inputs)
    ln_gamma = jnp.ones((D_PREV,), dtype=jnp.float32)
    ln_beta = jnp.zeros((D_PREV,), dtype=jnp.float32)
    # GNNConv (GraphConv-style): root weight + neighbor weight + bias
    W_root = jax.random.normal(ks[4], (D_IN, D_OUT), dtype=jnp.float32) * 0.05
    W_neigh = jax.random.normal(ks[5], (D_IN, D_OUT), dtype=jnp.float32) * 0.05
    b = jnp.zeros((D_OUT,), dtype=jnp.float32)
    return {
        "x_prev": x_prev,
        "x_same": x_same,
        "x_next": x_next,
        "edge_index": edge_index,
        "ln_gamma": ln_gamma,
        "ln_beta": ln_beta,
        "W_root": W_root,
        "W_neigh": W_neigh,
        "b": b,
    }


def reference(x_prev, x_same, x_next, edge_index, ln_gamma, ln_beta, W_root, W_neigh, b):
    # GNNTowDownForwardLayer.forward:
    #   x = cat(norm(x_prev), norm(x_next), dim=1).detach()
    #   new_x = gnn_layer(x, edge_index)
    xp = layer_norm(x_prev, ln_gamma, ln_beta)
    xn = layer_norm(x_next, ln_gamma, ln_beta)
    x = jax.lax.stop_gradient(jnp.concatenate([xp, xn], axis=1))  # .detach()
    src = edge_index[0]
    dst = edge_index[1]
    # message passing: gather source features, scatter-add to destination
    msgs = jnp.take(x, src, axis=0)
    agg = jax.ops.segment_sum(msgs, dst, num_segments=N)
    out = x @ W_root + agg @ W_neigh + b
    return out

if __name__ == "__main__":
    import jax
    _d = setup_inputs()
    print(jax.jit(kernel)(*tuple(_d.values())))

</pallas_src>

<mosaic_0001>
#map = affine_map<(d0, d1) -> (0, 0, 0)>
#map1 = affine_map<(d0, d1) -> (0, 0, 0, 0)>
#map2 = affine_map<(d0, d1) -> (0, 0)>
module attributes {stable_mosaic.version = 14 : i64} {
  func.func @sc_kernel(%arg0: i32, %arg1: i32, %arg2: memref<2x10016x64xbf16, #tpu.memory_space<hbm>>, %arg3: memref<2x16x250x80xi32, #tpu.memory_space<hbm>>, %arg4: memref<10112x64xbf16, #tpu.memory_space<hbm>>, %arg5: memref<2x10112x64xbf16, #tpu.memory_space<hbm>>, %arg6: memref<250x80xi32, #tpu.memory_space<vmem>>, %arg7: memref<250x80xi32, #tpu.memory_space<vmem>>, %arg8: memref<6x80x64xbf16, #tpu.memory_space<vmem>>, %arg9: memref<10112x64xbf16, #tpu.memory_space<vmem_shared>>, %arg10: memref<!tpu.dma_semaphore, #tpu.memory_space<semaphore_mem>>, %arg11: memref<!tpu.dma_semaphore, #tpu.memory_space<semaphore_mem>>) attributes {dimension_semantics = [#tpu.dimension_semantics<core_parallel>, #tpu.dimension_semantics<subcore_parallel>], iteration_bounds = array<i64: 2, 16>, scalar_prefetch = 0 : i64, scratch_operands = 6 : i64, tpu.core_type = #tpu.core_type<sc_vector_subcore>, window_params = [{transform_indices = #map}, {transform_indices = #map1}, {transform_indices = #map2}, {transform_indices = #map}]} {
    %run_scoped3A = arith.constant 0 : i32
    "tpu.region"() ({
      %run_scoped3A_100 = tpu.sem_alloc : memref<!tpu.dma_semaphore, #tpu.memory_space<semaphore_mem>>
      %dma_start3A_101 = arith.constant 0 : i32
      %dma_start3A_102 = arith.constant 0 : i32
      %dma_start3A_103 = tpu.memref_slice %arg3[%run_scoped3A, %arg1, %dma_start3A_101, %dma_start3A_102] : memref<2x16x250x80xi32, #tpu.memory_space<hbm>> -> memref<1x1x250x80xi32, #tpu.memory_space<hbm>>
      %dma_start3A_104 = tpu.memref_squeeze %dma_start3A_103 : memref<1x1x250x80xi32, #tpu.memory_space<hbm>> -> memref<250x80xi32, #tpu.memory_space<hbm>>
      %dma_start3A_105 = arith.constant 0 : i32
      %dma_start3A_106 = arith.constant 0 : i32
      %dma_start3A_107 = tpu.memref_slice %arg3[%run_scoped3A, %arg1, %dma_start3A_105, %dma_start3A_106] : memref<2x16x250x80xi32, #tpu.memory_space<hbm>> -> memref<1x1x250x80xi32, #tpu.memory_space<hbm>>
      %dma_start3A_108 = tpu.memref_squeeze %dma_start3A_107 : memref<1x1x250x80xi32, #tpu.memory_space<hbm>> -> memref<250x80xi32, #tpu.memory_space<hbm>>
      tpu.enqueue_dma source(%dma_start3A_108 : memref<250x80xi32, #tpu.memory_space<hbm>>) target(%arg6 : memref<250x80xi32, #tpu.memory_space<vmem>>) target_semaphore(%run_scoped3A_100 : memref<!tpu.dma_semaphore, #tpu.memory_space<semaphore_mem>>)
      %dma_wait3A_109 = arith.constant 0 : i32
      %dma_wait3A_110 = arith.constant 0 : i32
      %dma_wait3A_111 = tpu.memref_slice %arg3[%run_scoped3A, %arg1, %dma_wait3A_109, %dma_wait3A_110] : memref<2x16x250x80xi32, #tpu.memory_space<hbm>> -> memref<1x1x250x80xi32, #tpu.memory_space<hbm>>
      %dma_wait3A_112 = tpu.memref_squeeze %dma_wait3A_111 : memref<1x1x250x80xi32, #tpu.memory_space<hbm>> -> memref<250x80xi32, #tpu.memory_space<hbm>>
      %dma_wait3A_113 = arith.constant 0 : i32
      %dma_wait3A_114 = arith.constant 0 : i32
      %dma_wait3A_115 = tpu.memref_slice %arg3[%run_scoped3A, %arg1, %dma_wait3A_113, %dma_wait3A_114] : memref<2x16x250x80xi32, #tpu.memory_space<hbm>> -> memref<1x1x250x80xi32, #tpu.memory_space<hbm>>
      %dma_wait3A_116 = tpu.memref_squeeze %dma_wait3A_115 : memref<1x1x250x80xi32, #tpu.memory_space<hbm>> -> memref<250x80xi32, #tpu.memory_space<hbm>>
      tpu.wait_dma2 semaphore(%run_scoped3A_100 : memref<!tpu.dma_semaphore, #tpu.memory_space<semaphore_mem>>) src(%dma_wait3A_116 : memref<250x80xi32, #tpu.memory_space<hbm>>) dst(%arg6 : memref<250x80xi32, #tpu.memory_space<vmem>>)
      tpu.yield
    }) : () -> ()
    %run_scoped3A_0 = arith.constant 1 : i32
    "tpu.region"() ({
      %run_scoped3A_100 = tpu.sem_alloc : memref<!tpu.dma_semaphore, #tpu.memory_space<semaphore_mem>>
      %dma_start3A_101 = arith.constant 0 : i32
      %dma_start3A_102 = arith.constant 0 : i32
      %dma_start3A_103 = tpu.memref_slice %arg3[%run_scoped3A_0, %arg1, %dma_start3A_101, %dma_start3A_102] : memref<2x16x250x80xi32, #tpu.memory_space<hbm>> -> memref<1x1x250x80xi32, #tpu.memory_space<hbm>>
      %dma_start3A_104 = tpu.memref_squeeze %dma_start3A_103 : memref<1x1x250x80xi32, #tpu.memory_space<hbm>> -> memref<250x80xi32, #tpu.memory_space<hbm>>
      %dma_start3A_105 = arith.constant 0 : i32
      %dma_start3A_106 = arith.constant 0 : i32
      %dma_start3A_107 = tpu.memref_slice %arg3[%run_scoped3A_0, %arg1, %dma_start3A_105, %dma_start3A_106] : memref<2x16x250x80xi32, #tpu.memory_space<hbm>> -> memref<1x1x250x80xi32, #tpu.memory_space<hbm>>
      %dma_start3A_108 = tpu.memref_squeeze %dma_start3A_107 : memref<1x1x250x80xi32, #tpu.memory_space<hbm>> -> memref<250x80xi32, #tpu.memory_space<hbm>>
      tpu.enqueue_dma source(%dma_start3A_108 : memref<250x80xi32, #tpu.memory_space<hbm>>) target(%arg7 : memref<250x80xi32, #tpu.memory_space<vmem>>) target_semaphore(%run_scoped3A_100 : memref<!tpu.dma_semaphore, #tpu.memory_space<semaphore_mem>>)
      %dma_wait3A_109 = arith.constant 0 : i32
      %dma_wait3A_110 = arith.constant 0 : i32
      %dma_wait3A_111 = tpu.memref_slice %arg3[%run_scoped3A_0, %arg1, %dma_wait3A_109, %dma_wait3A_110] : memref<2x16x250x80xi32, #tpu.memory_space<hbm>> -> memref<1x1x250x80xi32, #tpu.memory_space<hbm>>
      %dma_wait3A_112 = tpu.memref_squeeze %dma_wait3A_111 : memref<1x1x250x80xi32, #tpu.memory_space<hbm>> -> memref<250x80xi32, #tpu.memory_space<hbm>>
      %dma_wait3A_113 = arith.constant 0 : i32
      %dma_wait3A_114 = arith.constant 0 : i32
      %dma_wait3A_115 = tpu.memref_slice %arg3[%run_scoped3A_0, %arg1, %dma_wait3A_113, %dma_wait3A_114] : memref<2x16x250x80xi32, #tpu.memory_space<hbm>> -> memref<1x1x250x80xi32, #tpu.memory_space<hbm>>
      %dma_wait3A_116 = tpu.memref_squeeze %dma_wait3A_115 : memref<1x1x250x80xi32, #tpu.memory_space<hbm>> -> memref<250x80xi32, #tpu.memory_space<hbm>>
      tpu.wait_dma2 semaphore(%run_scoped3A_100 : memref<!tpu.dma_semaphore, #tpu.memory_space<semaphore_mem>>) src(%dma_wait3A_116 : memref<250x80xi32, #tpu.memory_space<hbm>>) dst(%arg7 : memref<250x80xi32, #tpu.memory_space<vmem>>)
      tpu.yield
    }) : () -> ()
    %mul3A = arith.constant 632 : i32
    %mul3A_1 = arith.muli %arg1, %mul3A : i32
    "tpu.region"() ({
      %run_scoped3A_100 = tpu.sem_alloc : memref<!tpu.dma_semaphore, #tpu.memory_space<semaphore_mem>>
      %dma_start3A_101 = arith.constant 0 : i32
      %dma_start3A_102 = tpu.memref_slice %arg9[%mul3A_1, %dma_start3A_101] : memref<10112x64xbf16, #tpu.memory_space<vmem_shared>> -> memref<632x64xbf16, #tpu.memory_space<vmem_shared>>
      %dma_start3A_103 = arith.constant 0 : i32
      %dma_start3A_104 = tpu.memref_slice %arg4[%mul3A_1, %dma_start3A_103] : memref<10112x64xbf16, #tpu.memory_space<hbm>> -> memref<632x64xbf16, #tpu.memory_space<hbm>>
      tpu.enqueue_dma source(%dma_start3A_104 : memref<632x64xbf16, #tpu.memory_space<hbm>>) target(%dma_start3A_102 : memref<632x64xbf16, #tpu.memory_space<vmem_shared>>) target_semaphore(%run_scoped3A_100 : memref<!tpu.dma_semaphore, #tpu.memory_space<semaphore_mem>>)
      %dma_wait3A_105 = arith.constant 0 : i32
      %dma_wait3A_106 = tpu.memref_slice %arg9[%mul3A_1, %dma_wait3A_105] : memref<10112x64xbf16, #tpu.memory_space<vmem_shared>> -> memref<632x64xbf16, #tpu.memory_space<vmem_shared>>
      %dma_wait3A_107 = arith.constant 0 : i32
      %dma_wait3A_108 = tpu.memref_slice %arg4[%mul3A_1, %dma_wait3A_107] : memref<10112x64xbf16, #tpu.memory_space<hbm>> -> memref<632x64xbf16, #tpu.memory_space<hbm>>
      tpu.wait_dma2 semaphore(%run_scoped3A_100 : memref<!tpu.dma_semaphore, #tpu.memory_space<semaphore_mem>>) src(%dma_wait3A_108 : memref<632x64xbf16, #tpu.memory_space<hbm>>) dst(%dma_wait3A_106 : memref<632x64xbf16, #tpu.memory_space<vmem_shared>>)
      tpu.yield
    }) : () -> ()
    %barrier3A = arith.constant 0 : index
    tpu.barrier barrier_id(%barrier3A)
    %dma_start3A = arith.constant 0 : i32
    %dma_start3A_2 = arith.constant 0 : i32
    %dma_start3A_3 = arith.constant 0 : i32
    %dma_start3A_4 = arith.constant 0 : i32
    %dma_start3A_5 = tpu.memref_slice %arg8[%dma_start3A_2, %dma_start3A_3, %dma_start3A_4] : memref<6x80x64xbf16, #tpu.memory_space<vmem>> -> memref<1x80x64xbf16, #tpu.memory_space<vmem>>
    %dma_start3A_6 = tpu.memref_squeeze %dma_start3A_5 : memref<1x80x64xbf16, #tpu.memory_space<vmem>> -> memref<80x64xbf16, #tpu.memory_space<vmem>>
    %dma_start3A_7 = arith.constant 0 : i32
    %dma_start3A_8 = tpu.memref_slice %arg6[%dma_start3A, %dma_start3A_7] : memref<250x80xi32, #tpu.memory_space<vmem>> -> memref<1x80xi32, #tpu.memory_space<vmem>>
    %dma_start3A_9 = tpu.memref_squeeze %dma_start3A_8 : memref<1x80xi32, #tpu.memory_space<vmem>> -> memref<80xi32, #tpu.memory_space<vmem>>
    %dma_start3A_10 = arith.constant 0 : i32
    %dma_start3A_11 = arith.constant 0 : i32
    %dma_start3A_12 = tpu.memref_slice %arg2[%arg0, %dma_start3A_10, %dma_start3A_11] : memref<2x10016x64xbf16, #tpu.memory_space<hbm>> -> memref<1x10016x64xbf16, #tpu.memory_space<hbm>>
    %dma_start3A_13 = tpu.memref_squeeze %dma_start3A_12 : memref<1x10016x64xbf16, #tpu.memory_space<hbm>> -> memref<10016x64xbf16, #tpu.memory_space<hbm>>
    %dma_start3A_14 = arith.constant 0 : i32
    %dma_start3A_15 = arith.constant 0 : i32
    %dma_start3A_16 = tpu.memref_slice %dma_start3A_13[%dma_start3A_14, %dma_start3A_15] : memref<10016x64xbf16, #tpu.memory_space<hbm>> -> memref<10016x64xbf16, #tpu.memory_space<hbm>>
    tpu.enqueue_indirect_dma source(%dma_start3A_16 : memref<10016x64xbf16, #tpu.memory_space<hbm>>) target(%dma_start3A_6 : memref<80x64xbf16, #tpu.memory_space<vmem>>) offsets(%dma_start3A_9 : memref<80xi32, #tpu.memory_space<vmem>>) semaphore(%arg10 : memref<!tpu.dma_semaphore, #tpu.memory_space<semaphore_mem>>)
    %dma_start3A_17 = arith.constant 1 : i32
    %dma_start3A_18 = arith.constant 1 : i32
    %dma_start3A_19 = arith.constant 0 : i32
    %dma_start3A_20 = arith.constant 0 : i32
    %dma_start3A_21 = tpu.memref_slice %arg8[%dma_start3A_18, %dma_start3A_19, %dma_start3A_20] : memref<6x80x64xbf16, #tpu.memory_space<vmem>> -> memref<1x80x64xbf16, #tpu.memory_space<vmem>>
    %dma_start3A_22 = tpu.memref_squeeze %dma_start3A_21 : memref<1x80x64xbf16, #tpu.memory_space<vmem>> -> memref<80x64xbf16, #tpu.memory_space<vmem>>
    %dma_start3A_23 = arith.constant 0 : i32
    %dma_start3A_24 = tpu.memref_slice %arg6[%dma_start3A_17, %dma_start3A_23] : memref<250x80xi32, #tpu.memory_space<vmem>> -> memref<1x80xi32, #tpu.memory_space<vmem>>
    %dma_start3A_25 = tpu.memref_squeeze %dma_start3A_24 : memref<1x80xi32, #tpu.memory_space<vmem>> -> memref<80xi32, #tpu.memory_space<vmem>>
    %dma_start3A_26 = arith.constant 0 : i32
    %dma_start3A_27 = arith.constant 0 : i32
    %dma_start3A_28 = tpu.memref_slice %arg2[%arg0, %dma_start3A_26, %dma_start3A_27] : memref<2x10016x64xbf16, #tpu.memory_space<hbm>> -> memref<1x10016x64xbf16, #tpu.memory_space<hbm>>
    %dma_start3A_29 = tpu.memref_squeeze %dma_start3A_28 : memref<1x10016x64xbf16, #tpu.memory_space<hbm>> -> memref<10016x64xbf16, #tpu.memory_space<hbm>>
    %dma_start3A_30 = arith.constant 0 : i32
    %dma_start3A_31 = arith.constant 0 : i32
    %dma_start3A_32 = tpu.memref_slice %dma_start3A_29[%dma_start3A_30, %dma_start3A_31] : memref<10016x64xbf16, #tpu.memory_space<hbm>> -> memref<10016x64xbf16, #tpu.memory_space<hbm>>
    tpu.enqueue_indirect_dma source(%dma_start3A_32 : memref<10016x64xbf16, #tpu.memory_space<hbm>>) target(%dma_start3A_22 : memref<80x64xbf16, #tpu.memory_space<vmem>>) offsets(%dma_start3A_25 : memref<80xi32, #tpu.memory_space<vmem>>) semaphore(%arg10 : memref<!tpu.dma_semaphore, #tpu.memory_space<semaphore_mem>>)
    %dma_start3A_33 = arith.constant 2 : i32
    %dma_start3A_34 = arith.constant 2 : i32
    %dma_start3A_35 = arith.constant 0 : i32
    %dma_start3A_36 = arith.constant 0 : i32
    %dma_start3A_37 = tpu.memref_slice %arg8[%dma_start3A_34, %dma_start3A_35, %dma_start3A_36] : memref<6x80x64xbf16, #tpu.memory_space<vmem>> -> memref<1x80x64xbf16, #tpu.memory_space<vmem>>
    %dma_start3A_38 = tpu.memref_squeeze %dma_start3A_37 : memref<1x80x64xbf16, #tpu.memory_space<vmem>> -> memref<80x64xbf16, #tpu.memory_space<vmem>>
    %dma_start3A_39 = arith.constant 0 : i32
    %dma_start3A_40 = tpu.memref_slice %arg6[%dma_start3A_33, %dma_start3A_39] : memref<250x80xi32, #tpu.memory_space<vmem>> -> memref<1x80xi32, #tpu.memory_space<vmem>>
    %dma_start3A_41 = tpu.memref_squeeze %dma_start3A_40 : memref<1x80xi32, #tpu.memory_space<vmem>> -> memref<80xi32, #tpu.memory_space<vmem>>
    %dma_start3A_42 = arith.constant 0 : i32
    %dma_start3A_43 = arith.constant 0 : i32
    %dma_start3A_44 = tpu.memref_slice %arg2[%arg0, %dma_start3A_42, %dma_start3A_43] : memref<2x10016x64xbf16, #tpu.memory_space<hbm>> -> memref<1x10016x64xbf16, #tpu.memory_space<hbm>>
    %dma_start3A_45 = tpu.memref_squeeze %dma_start3A_44 : memref<1x10016x64xbf16, #tpu.memory_space<hbm>> -> memref<10016x64xbf16, #tpu.memory_space<hbm>>
    %dma_start3A_46 = arith.constant 0 : i32
    %dma_start3A_47 = arith.constant 0 : i32
    %dma_start3A_48 = tpu.memref_slice %dma_start3A_45[%dma_start3A_46, %dma_start3A_47] : memref<10016x64xbf16, #tpu.memory_space<hbm>> -> memref<10016x64xbf16, #tpu.memory_space<hbm>>
    tpu.enqueue_indirect_dma source(%dma_start3A_48 : memref<10016x64xbf16, #tpu.memory_space<hbm>>) target(%dma_start3A_38 : memref<80x64xbf16, #tpu.memory_space<vmem>>) offsets(%dma_start3A_41 : memref<80xi32, #tpu.memory_space<vmem>>) semaphore(%arg10 : memref<!tpu.dma_semaphore, #tpu.memory_space<semaphore_mem>>)
    %dma_start3A_49 = arith.constant 3 : i32
    %dma_start3A_50 = arith.constant 3 : i32
    %dma_start3A_51 = arith.constant 0 : i32
    %dma_start3A_52 = arith.constant 0 : i32
    %dma_start3A_53 = tpu.memref_slice %arg8[%dma_start3A_50, %dma_start3A_51, %dma_start3A_52] : memref<6x80x64xbf16, #tpu.memory_space<vmem>> -> memref<1x80x64xbf16, #tpu.memory_space<vmem>>
    %dma_start3A_54 = tpu.memref_squeeze %dma_start3A_53 : memref<1x80x64xbf16, #tpu.memory_space<vmem>> -> memref<80x64xbf16, #tpu.memory_space<vmem>>
    %dma_start3A_55 = arith.constant 0 : i32
    %dma_start3A_56 = tpu.memref_slice %arg6[%dma_start3A_49, %dma_start3A_55] : memref<250x80xi32, #tpu.memory_space<vmem>> -> memref<1x80xi32, #tpu.memory_space<vmem>>
    %dma_start3A_57 = tpu.memref_squeeze %dma_start3A_56 : memref<1x80xi32, #tpu.memory_space<vmem>> -> memref<80xi32, #tpu.memory_space<vmem>>
    %dma_start3A_58 = arith.constant 0 : i32
    %dma_start3A_59 = arith.constant 0 : i32
    %dma_start3A_60 = tpu.memref_slice %arg2[%arg0, %dma_start3A_58, %dma_start3A_59] : memref<2x10016x64xbf16, #tpu.memory_space<hbm>> -> memref<1x10016x64xbf16, #tpu.memory_space<hbm>>
    %dma_start3A_61 = tpu.memref_squeeze %dma_start3A_60 : memref<1x10016x64xbf16, #tpu.memory_space<hbm>> -> memref<10016x64xbf16, #tpu.memory_space<hbm>>
    %dma_start3A_62 = arith.constant 0 : i32
    %dma_start3A_63 = arith.constant 0 : i32
    %dma_start3A_64 = tpu.memref_slice %dma_start3A_61[%dma_start3A_62, %dma_start3A_63] : memref<10016x64xbf16, #tpu.memory_space<hbm>> -> memref<10016x64xbf16, #tpu.memory_space<hbm>>
    tpu.enqueue_indirect_dma source(%dma_start3A_64 : memref<10016x64xbf16, #tpu.memory_space<hbm>>) target(%dma_start3A_54 : memref<80x64xbf16, #tpu.memory_space<vmem>>) offsets(%dma_start3A_57 : memref<80xi32, #tpu.memory_space<vmem>>) semaphore(%arg10 : memref<!tpu.dma_semaphore, #tpu.memory_space<semaphore_mem>>)
    %scan3A = arith.constant 0 : i32
    %scan3A_65 = arith.constant 0 : i32
    %scan3A_66 = arith.constant 250 : i32
    %scan3A_67 = arith.addi %scan3A_65, %scan3A_66 : i32
    %scan3A_68 = arith.constant 1 : i32
    scf.for %scan3A_100 = %scan3A_65 to %scan3A_67 step %scan3A_68  : i32 {
      %ge3A = arith.constant 2 : i32
      %ge3A_101 = arith.cmpi sge, %scan3A_100, %ge3A : i32
      %convert_element_type3A = arith.extui %ge3A_101 : i1 to i32
      %cond3A = arith.constant 0 : i32
      %cond3A_102 = arith.cmpi ne, %convert_element_type3A, %cond3A : i32
      scf.if %cond3A_102 {
        %dma_wait3A_134 = arith.constant 0 : i32
        %dma_wait3A_135 = arith.constant 0 : i32
        %dma_wait3A_136 = arith.constant 0 : i32
        %dma_wait3A_137 = tpu.memref_slice %arg8[%dma_wait3A_134, %dma_wait3A_135, %dma_wait3A_136] : memref<6x80x64xbf16, #tpu.memory_space<vmem>> -> memref<1x80x64xbf16, #tpu.memory_space<vmem>>
        %dma_wait3A_138 = tpu.memref_squeeze %dma_wait3A_137 : memref<1x80x64xbf16, #tpu.memory_space<vmem>> -> memref<80x64xbf16, #tpu.memory_space<vmem>>
        %dma_wait3A_139 = arith.constant 0 : i32
        %dma_wait3A_140 = arith.constant 0 : i32
        %dma_wait3A_141 = tpu.memref_slice %arg4[%dma_wait3A_139, %dma_wait3A_140] : memref<10112x64xbf16, #tpu.memory_space<hbm>> -> memref<80x64xbf16, #tpu.memory_space<hbm>>
        %dma_wait3A_142 = arith.constant 0 : i32
        %dma_wait3A_143 = arith.constant 0 : i32
        %dma_wait3A_144 = tpu.memref_slice %arg8[%dma_wait3A_134, %dma_wait3A_142, %dma_wait3A_143] : memref<6x80x64xbf16, #tpu.memory_space<vmem>> -> memref<1x80x64xbf16, #tpu.memory_space<vmem>>
        %dma_wait3A_145 = tpu.memref_squeeze %dma_wait3A_144 : memref<1x80x64xbf16, #tpu.memory_space<vmem>> -> memref<80x64xbf16, #tpu.memory_space<vmem>>
        %dma_wait3A_146 = arith.constant 0 : i32
        %dma_wait3A_147 = arith.constant 0 : i32
        %dma_wait3A_148 = tpu.memref_slice %arg4[%dma_wait3A_146, %dma_wait3A_147] : memref<10112x64xbf16, #tpu.memory_space<hbm>> -> memref<80x64xbf16, #tpu.memory_space<hbm>>
        tpu.wait_dma2 semaphore(%arg11 : memref<!tpu.dma_semaphore, #tpu.memory_space<semaphore_mem>>) src(%dma_wait3A_148 : memref<80x64xbf16, #tpu.memory_space<hbm>>) dst(%dma_wait3A_145 : memref<80x64xbf16, #tpu.memory_space<vmem>>)
      } else {
      }
      %add3A = arith.constant 4 : i32
      %add3A_103 = arith.addi %scan3A_100, %add3A : i32
      %lt3A = arith.constant 250 : i32
      %lt3A_104 = arith.cmpi slt, %add3A_103, %lt3A : i32
      %convert_element_type3A_105 = arith.extui %lt3A_104 : i1 to i32
      %cond3A_106 = arith.constant 0 : i32
      %cond3A_107 = arith.cmpi ne, %convert_element_type3A_105, %cond3A_106 : i32
      scf.if %cond3A_107 {
        %add3A_134 = arith.constant 4 : i32
        %add3A_135 = arith.addi %scan3A_100, %add3A_134 : i32
        %add3A_136 = arith.constant 4 : i32
        %add3A_137 = arith.addi %scan3A_100, %add3A_136 : i32
        %rem3A_138 = arith.constant 6 : i32
        %rem3A_139 = arith.remsi %add3A_137, %rem3A_138 : i32
        %dma_start3A_140 = arith.constant 0 : i32
        %dma_start3A_141 = arith.constant 0 : i32
        %dma_start3A_142 = tpu.memref_slice %arg8[%rem3A_139, %dma_start3A_140, %dma_start3A_141] : memref<6x80x64xbf16, #tpu.memory_space<vmem>> -> memref<1x80x64xbf16, #tpu.memory_space<vmem>>
        %dma_start3A_143 = tpu.memref_squeeze %dma_start3A_142 : memref<1x80x64xbf16, #tpu.memory_space<vmem>> -> memref<80x64xbf16, #tpu.memory_space<vmem>>
        %dma_start3A_144 = arith.constant 0 : i32
        %dma_start3A_145 = tpu.memref_slice %arg6[%add3A_135, %dma_start3A_144] : memref<250x80xi32, #tpu.memory_space<vmem>> -> memref<1x80xi32, #tpu.memory_space<vmem>>
        %dma_start3A_146 = tpu.memref_squeeze %dma_start3A_145 : memref<1x80xi32, #tpu.memory_space<vmem>> -> memref<80xi32, #tpu.memory_space<vmem>>
        %dma_start3A_147 = arith.constant 0 : i32
        %dma_start3A_148 = arith.constant 0 : i32
        %dma_start3A_149 = tpu.memref_slice %arg2[%arg0, %dma_start3A_147, %dma_start3A_148] : memref<2x10016x64xbf16, #tpu.memory_space<hbm>> -> memref<1x10016x64xbf16, #tpu.memory_space<hbm>>
        %dma_start3A_150 = tpu.memref_squeeze %dma_start3A_149 : memref<1x10016x64xbf16, #tpu.memory_space<hbm>> -> memref<10016x64xbf16, #tpu.memory_space<hbm>>
        %dma_start3A_151 = arith.constant 0 : i32
        %dma_start3A_152 = arith.constant 0 : i32
        %dma_start3A_153 = tpu.memref_slice %dma_start3A_150[%dma_start3A_151, %dma_start3A_152] : memref<10016x64xbf16, #tpu.memory_space<hbm>> -> memref<10016x64xbf16, #tpu.memory_space<hbm>>
        tpu.enqueue_indirect_dma source(%dma_start3A_153 : memref<10016x64xbf16, #tpu.memory_space<hbm>>) target(%dma_start3A_143 : memref<80x64xbf16, #tpu.memory_space<vmem>>) offsets(%dma_start3A_146 : memref<80xi32, #tpu.memory_space<vmem>>) semaphore(%arg10 : memref<!tpu.dma_semaphore, #tpu.memory_space<semaphore_mem>>)
      } else {
      }
      %dma_wait3A_108 = arith.constant 0 : i32
      %dma_wait3A_109 = arith.constant 0 : i32
      %dma_wait3A_110 = arith.constant 0 : i32
      %dma_wait3A_111 = tpu.memref_slice %arg8[%dma_wait3A_108, %dma_wait3A_109, %dma_wait3A_110] : memref<6x80x64xbf16, #tpu.memory_space<vmem>> -> memref<1x80x64xbf16, #tpu.memory_space<vmem>>
      %dma_wait3A_112 = tpu.memref_squeeze %dma_wait3A_111 : memref<1x80x64xbf16, #tpu.memory_space<vmem>> -> memref<80x64xbf16, #tpu.memory_space<vmem>>
      %dma_wait3A_113 = arith.constant 0 : i32
      %dma_wait3A_114 = arith.constant 0 : i32
      %dma_wait3A_115 = tpu.memref_slice %arg4[%dma_wait3A_113, %dma_wait3A_114] : memref<10112x64xbf16, #tpu.memory_space<hbm>> -> memref<80x64xbf16, #tpu.memory_space<hbm>>
      %dma_wait3A_116 = arith.constant 0 : i32
      %dma_wait3A_117 = arith.constant 0 : i32
      %dma_wait3A_118 = tpu.memref_slice %arg8[%dma_wait3A_108, %dma_wait3A_116, %dma_wait3A_117] : memref<6x80x64xbf16, #tpu.memory_space<vmem>> -> memref<1x80x64xbf16, #tpu.memory_space<vmem>>
      %dma_wait3A_119 = tpu.memref_squeeze %dma_wait3A_118 : memref<1x80x64xbf16, #tpu.memory_space<vmem>> -> memref<80x64xbf16, #tpu.memory_space<vmem>>
      %dma_wait3A_120 = arith.constant 0 : i32
      %dma_wait3A_121 = arith.constant 0 : i32
      %dma_wait3A_122 = tpu.memref_slice %arg4[%dma_wait3A_120, %dma_wait3A_121] : memref<10112x64xbf16, #tpu.memory_space<hbm>> -> memref<80x64xbf16, #tpu.memory_space<hbm>>
      tpu.wait_dma2 semaphore(%arg10 : memref<!tpu.dma_semaphore, #tpu.memory_space<semaphore_mem>>) src(%dma_wait3A_122 : memref<80x64xbf16, #tpu.memory_space<hbm>>) dst(%dma_wait3A_119 : memref<80x64xbf16, #tpu.memory_space<vmem>>)
      %rem3A = arith.constant 6 : i32
      %rem3A_123 = arith.remsi %scan3A_100, %rem3A : i32
      %dma_start3A_124 = arith.constant 0 : i32
      %dma_start3A_125 = arith.constant 0 : i32
      %dma_start3A_126 = tpu.memref_slice %arg8[%rem3A_123, %dma_start3A_124, %dma_start3A_125] : memref<6x80x64xbf16, #tpu.memory_space<vmem>> -> memref<1x80x64xbf16, #tpu.memory_space<vmem>>
      %dma_start3A_127 = tpu.memref_squeeze %dma_start3A_126 : memref<1x80x64xbf16, #tpu.memory_space<vmem>> -> memref<80x64xbf16, #tpu.memory_space<vmem>>
      %dma_start3A_128 = arith.constant 0 : i32
      %dma_start3A_129 = tpu.memref_slice %arg7[%scan3A_100, %dma_start3A_128] : memref<250x80xi32, #tpu.memory_space<vmem>> -> memref<1x80xi32, #tpu.memory_space<vmem>>
      %dma_start3A_130 = tpu.memref_squeeze %dma_start3A_129 : memref<1x80xi32, #tpu.memory_space<vmem>> -> memref<80xi32, #tpu.memory_space<vmem>>
      %dma_start3A_131 = arith.constant 0 : i32
      %dma_start3A_132 = arith.constant 0 : i32
      %dma_start3A_133 = tpu.memref_slice %arg9[%dma_start3A_131, %dma_start3A_132] : memref<10112x64xbf16, #tpu.memory_space<vmem_shared>> -> memref<10112x64xbf16, #tpu.memory_space<vmem_shared>>
      tpu.enqueue_indirect_dma source(%dma_start3A_127 : memref<80x64xbf16, #tpu.memory_space<vmem>>) target(%dma_start3A_133 : memref<10112x64xbf16, #tpu.memory_space<vmem_shared>>) offsets(%dma_start3A_130 : memref<80xi32, #tpu.memory_space<vmem>>) semaphore(%arg11 : memref<!tpu.dma_semaphore, #tpu.memory_space<semaphore_mem>>) {add = true}
    }
    %scan3A_69 = arith.constant 250 : i32
    %dma_wait3A = arith.constant 0 : i32
    %dma_wait3A_70 = arith.constant 0 : i32
    %dma_wait3A_71 = arith.constant 0 : i32
    %dma_wait3A_72 = tpu.memref_slice %arg8[%dma_wait3A, %dma_wait3A_70, %dma_wait3A_71] : memref<6x80x64xbf16, #tpu.memory_space<vmem>> -> memref<1x80x64xbf16, #tpu.memory_space<vmem>>
    %dma_wait3A_73 = tpu.memref_squeeze %dma_wait3A_72 : memref<1x80x64xbf16, #tpu.memory_space<vmem>> -> memref<80x64xbf16, #tpu.memory_space<vmem>>
    %dma_wait3A_74 = arith.constant 0 : i32
    %dma_wait3A_75 = arith.constant 0 : i32
    %dma_wait3A_76 = tpu.memref_slice %arg4[%dma_wait3A_74, %dma_wait3A_75] : memref<10112x64xbf16, #tpu.memory_space<hbm>> -> memref<80x64xbf16, #tpu.memory_space<hbm>>
    %dma_wait3A_77 = arith.constant 0 : i32
    %dma_wait3A_78 = arith.constant 0 : i32
    %dma_wait3A_79 = tpu.memref_slice %arg8[%dma_wait3A, %dma_wait3A_77, %dma_wait3A_78] : memref<6x80x64xbf16, #tpu.memory_space<vmem>> -> memref<1x80x64xbf16, #tpu.memory_space<vmem>>
    %dma_wait3A_80 = tpu.memref_squeeze %dma_wait3A_79 : memref<1x80x64xbf16, #tpu.memory_space<vmem>> -> memref<80x64xbf16, #tpu.memory_space<vmem>>
    %dma_wait3A_81 = arith.constant 0 : i32
    %dma_wait3A_82 = arith.constant 0 : i32
    %dma_wait3A_83 = tpu.memref_slice %arg4[%dma_wait3A_81, %dma_wait3A_82] : memref<10112x64xbf16, #tpu.memory_space<hbm>> -> memref<80x64xbf16, #tpu.memory_space<hbm>>
    tpu.wait_dma2 semaphore(%arg11 : memref<!tpu.dma_semaphore, #tpu.memory_space<semaphore_mem>>) src(%dma_wait3A_83 : memref<80x64xbf16, #tpu.memory_space<hbm>>) dst(%dma_wait3A_80 : memref<80x64xbf16, #tpu.memory_space<vmem>>)
    %dma_wait3A_84 = arith.constant 0 : i32
    %dma_wait3A_85 = arith.constant 0 : i32
    %dma_wait3A_86 = arith.constant 0 : i32
    %dma_wait3A_87 = tpu.memref_slice %arg8[%dma_wait3A_84, %dma_wait3A_85, %dma_wait3A_86] : memref<6x80x64xbf16, #tpu.memory_space<vmem>> -> memref<1x80x64xbf16, #tpu.memory_space<vmem>>
    %dma_wait3A_88 = tpu.memref_squeeze %dma_wait3A_87 : memref<1x80x64xbf16, #tpu.memory_space<vmem>> -> memref<80x64xbf16, #tpu.memory_space<vmem>>
    %dma_wait3A_89 = arith.constant 0 : i32
    %dma_wait3A_90 = arith.constant 0 : i32
    %dma_wait3A_91 = tpu.memref_slice %arg4[%dma_wait3A_89, %dma_wait3A_90] : memref<10112x64xbf16, #tpu.memory_space<hbm>> -> memref<80x64xbf16, #tpu.memory_space<hbm>>
    %dma_wait3A_92 = arith.constant 0 : i32
    %dma_wait3A_93 = arith.constant 0 : i32
    %dma_wait3A_94 = tpu.memref_slice %arg8[%dma_wait3A_84, %dma_wait3A_92, %dma_wait3A_93] : memref<6x80x64xbf16, #tpu.memory_space<vmem>> -> memref<1x80x64xbf16, #tpu.memory_space<vmem>>
    %dma_wait3A_95 = tpu.memref_squeeze %dma_wait3A_94 : memref<1x80x64xbf16, #tpu.memory_space<vmem>> -> memref<80x64xbf16, #tpu.memory_space<vmem>>
    %dma_wait3A_96 = arith.constant 0 : i32
    %dma_wait3A_97 = arith.constant 0 : i32
    %dma_wait3A_98 = tpu.memref_slice %arg4[%dma_wait3A_96, %dma_wait3A_97] : memref<10112x64xbf16, #tpu.memory_space<hbm>> -> memref<80x64xbf16, #tpu.memory_space<hbm>>
    tpu.wait_dma2 semaphore(%arg11 : memref<!tpu.dma_semaphore, #tpu.memory_space<semaphore_mem>>) src(%dma_wait3A_98 : memref<80x64xbf16, #tpu.memory_space<hbm>>) dst(%dma_wait3A_95 : memref<80x64xbf16, #tpu.memory_space<vmem>>)
    %barrier3A_99 = arith.constant 0 : index
    tpu.barrier barrier_id(%barrier3A_99)
    "tpu.region"() ({
      %run_scoped3A_100 = tpu.sem_alloc : memref<!tpu.dma_semaphore, #tpu.memory_space<semaphore_mem>>
      %dma_start3A_101 = arith.constant 0 : i32
      %dma_start3A_102 = tpu.memref_slice %arg5[%arg0, %mul3A_1, %dma_start3A_101] : memref<2x10112x64xbf16, #tpu.memory_space<hbm>> -> memref<1x632x64xbf16, #tpu.memory_space<hbm>>
      %dma_start3A_103 = tpu.memref_squeeze %dma_start3A_102 : memref<1x632x64xbf16, #tpu.memory_space<hbm>> -> memref<632x64xbf16, #tpu.memory_space<hbm>>
      %dma_start3A_104 = arith.constant 0 : i32
      %dma_start3A_105 = tpu.memref_slice %arg9[%mul3A_1, %dma_start3A_104] : memref<10112x64xbf16, #tpu.memory_space<vmem_shared>> -> memref<632x64xbf16, #tpu.memory_space<vmem_shared>>
      tpu.enqueue_dma source(%dma_start3A_105 : memref<632x64xbf16, #tpu.memory_space<vmem_shared>>) target(%dma_start3A_103 : memref<632x64xbf16, #tpu.memory_space<hbm>>) target_semaphore(%run_scoped3A_100 : memref<!tpu.dma_semaphore, #tpu.memory_space<semaphore_mem>>)
      %dma_wait3A_106 = arith.constant 0 : i32
      %dma_wait3A_107 = tpu.memref_slice %arg5[%arg0, %mul3A_1, %dma_wait3A_106] : memref<2x10112x64xbf16, #tpu.memory_space<hbm>> -> memref<1x632x64xbf16, #tpu.memory_space<hbm>>
      %dma_wait3A_108 = tpu.memref_squeeze %dma_wait3A_107 : memref<1x632x64xbf16, #tpu.memory_space<hbm>> -> memref<632x64xbf16, #tpu.memory_space<hbm>>
      %dma_wait3A_109 = arith.constant 0 : i32
      %dma_wait3A_110 = tpu.memref_slice %arg9[%mul3A_1, %dma_wait3A_109] : memref<10112x64xbf16, #tpu.memory_space<vmem_shared>> -> memref<632x64xbf16, #tpu.memory_space<vmem_shared>>
      tpu.wait_dma2 semaphore(%run_scoped3A_100 : memref<!tpu.dma_semaphore, #tpu.memory_space<semaphore_mem>>) src(%dma_wait3A_110 : memref<632x64xbf16, #tpu.memory_space<vmem_shared>>) dst(%dma_wait3A_108 : memref<632x64xbf16, #tpu.memory_space<hbm>>)
      tpu.yield
    }) : () -> ()
    return
  }
}

module attributes {stable_mosaic.version = 14 : i64} {
  func.func @_y_body(%arg0: i32, %arg1: memref<2000x128xf32, #tpu.memory_space<vmem>>, %arg2: memref<2000x128xf32, #tpu.memory_space<vmem>>, %arg3: memref<1x128xf32, #tpu.memory_space<vmem>>, %arg4: memref<1x128xf32, #tpu.memory_space<vmem>>, %arg5: memref<256x128xf32, #tpu.memory_space<vmem>>, %arg6: memref<2x2000x64xbf16, #tpu.memory_space<vmem>>) attributes {dimension_semantics = [#tpu.dimension_semantics<arbitrary>], iteration_bounds = array<i64: 5>, scalar_prefetch = 0 : i64, scratch_operands = 0 : i64, tpu.core_type = #tpu.core_type<tc>, window_params = [{transform_indices = @transform_0, window_bounds = array<i64: 2000, 128>}, {transform_indices = @transform_1, window_bounds = array<i64: 2000, 128>}, {pipeline_mode = #tpu.pipeline_mode<synchronous>, transform_indices = @transform_2, window_bounds = array<i64: 1, 128>}, {pipeline_mode = #tpu.pipeline_mode<synchronous>, transform_indices = @transform_3, window_bounds = array<i64: 1, 128>}, {pipeline_mode = #tpu.pipeline_mode<synchronous>, transform_indices = @transform_4, window_bounds = array<i64: 256, 128>}, {transform_indices = @transform_5, window_bounds = array<i64: 2, 2000, 64>}]} {
    %get3A = arith.constant 0 : index
    %get3A_0 = arith.constant 0 : index
    %get3A_1 = vector.load %arg3[%get3A, %get3A_0] : memref<1x128xf32, #tpu.memory_space<vmem>>, vector<1x128xf32>
    %get3A_2 = arith.constant 0 : index
    %get3A_3 = arith.constant 0 : index
    %get3A_4 = vector.load %arg4[%get3A_2, %get3A_3] : memref<1x128xf32, #tpu.memory_space<vmem>>, vector<1x128xf32>
    %get3A_5 = arith.constant 0 : index
    %get3A_6 = arith.constant 0 : index
    %get3A_7 = vector.load %arg1[%get3A_5, %get3A_6] : memref<2000x128xf32, #tpu.memory_space<vmem>>, vector<2000x128xf32>
    %reduce_sum3A = arith.constant dense<0.000000e+00> : vector<2000xf32>
    %reduce_sum3A_8 = vector.multi_reduction <add>, %get3A_7, %reduce_sum3A [1] : vector<2000x128xf32> to vector<2000xf32>
    %broadcast_in_dim3A = vector.shape_cast %reduce_sum3A_8 : vector<2000xf32> to vector<2000x1xf32>
    %div3A = arith.constant 1.280000e+02 : f32
    %div3A_9 = vector.broadcast %div3A : f32 to vector<2000x1xf32>
    %div3A_10 = arith.divf %broadcast_in_dim3A, %div3A_9 : vector<2000x1xf32>
    %sub3A = vector.broadcast %div3A_10 : vector<2000x1xf32> to vector<2000x128xf32>
    %sub3A_11 = arith.subf %get3A_7, %sub3A : vector<2000x128xf32>
    %sub3A_12 = vector.broadcast %div3A_10 : vector<2000x1xf32> to vector<2000x128xf32>
    %sub3A_13 = arith.subf %get3A_7, %sub3A_12 : vector<2000x128xf32>
    %mul3A = arith.mulf %sub3A_11, %sub3A_13 : vector<2000x128xf32>
    %reduce_sum3A_14 = arith.constant dense<0.000000e+00> : vector<2000xf32>
    %reduce_sum3A_15 = vector.multi_reduction <add>, %mul3A, %reduce_sum3A_14 [1] : vector<2000x128xf32> to vector<2000xf32>
    %broadcast_in_dim3A_16 = vector.shape_cast %reduce_sum3A_15 : vector<2000xf32> to vector<2000x1xf32>
    %div3A_17 = arith.constant 1.280000e+02 : f32
    %div3A_18 = vector.broadcast %div3A_17 : f32 to vector<2000x1xf32>
    %div3A_19 = arith.divf %broadcast_in_dim3A_16, %div3A_18 : vector<2000x1xf32>
    %sub3A_20 = vector.broadcast %div3A_10 : vector<2000x1xf32> to vector<2000x128xf32>
    %sub3A_21 = arith.subf %get3A_7, %sub3A_20 : vector<2000x128xf32>
    %add3A = arith.constant 9.99999974E-6 : f32
    %add3A_22 = vector.broadcast %add3A : f32 to vector<2000x1xf32>
    %add3A_23 = arith.addf %div3A_19, %add3A_22 : vector<2000x1xf32>
    %rsqrt3A = math.rsqrt %add3A_23 : vector<2000x1xf32>
    %mul3A_24 = vector.broadcast %rsqrt3A : vector<2000x1xf32> to vector<2000x128xf32>
    %mul3A_25 = arith.mulf %sub3A_21, %mul3A_24 : vector<2000x128xf32>
    %mul3A_26 = vector.broadcast %get3A_1 : vector<1x128xf32> to vector<2000x128xf32>
    %mul3A_27 = arith.mulf %mul3A_25, %mul3A_26 : vector<2000x128xf32>
    %add3A_28 = vector.broadcast %get3A_4 : vector<1x128xf32> to vector<2000x128xf32>
    %add3A_29 = arith.addf %mul3A_27, %add3A_28 : vector<2000x128xf32>
    %get3A_30 = arith.constant 0 : index
    %get3A_31 = arith.constant 0 : index
    %get3A_32 = vector.load %arg2[%get3A_30, %get3A_31] : memref<2000x128xf32, #tpu.memory_space<vmem>>, vector<2000x128xf32>
    %reduce_sum3A_33 = arith.constant dense<0.000000e+00> : vector<2000xf32>
    %reduce_sum3A_34 = vector.multi_reduction <add>, %get3A_32, %reduce_sum3A_33 [1] : vector<2000x128xf32> to vector<2000xf32>
    %broadcast_in_dim3A_35 = vector.shape_cast %reduce_sum3A_34 : vector<2000xf32> to vector<2000x1xf32>
    %div3A_36 = arith.constant 1.280000e+02 : f32
    %div3A_37 = vector.broadcast %div3A_36 : f32 to vector<2000x1xf32>
    %div3A_38 = arith.divf %broadcast_in_dim3A_35, %div3A_37 : vector<2000x1xf32>
    %sub3A_39 = vector.broadcast %div3A_38 : vector<2000x1xf32> to vector<2000x128xf32>
    %sub3A_40 = arith.subf %get3A_32, %sub3A_39 : vector<2000x128xf32>
    %sub3A_41 = vector.broadcast %div3A_38 : vector<2000x1xf32> to vector<2000x128xf32>
    %sub3A_42 = arith.subf %get3A_32, %sub3A_41 : vector<2000x128xf32>
    %mul3A_43 = arith.mulf %sub3A_40, %sub3A_42 : vector<2000x128xf32>
    %reduce_sum3A_44 = arith.constant dense<0.000000e+00> : vector<2000xf32>
    %reduce_sum3A_45 = vector.multi_reduction <add>, %mul3A_43, %reduce_sum3A_44 [1] : vector<2000x128xf32> to vector<2000xf32>
    %broadcast_in_dim3A_46 = vector.shape_cast %reduce_sum3A_45 : vector<2000xf32> to vector<2000x1xf32>
    %div3A_47 = arith.constant 1.280000e+02 : f32
    %div3A_48 = vector.broadcast %div3A_47 : f32 to vector<2000x1xf32>
    %div3A_49 = arith.divf %broadcast_in_dim3A_46, %div3A_48 : vector<2000x1xf32>
    %sub3A_50 = vector.broadcast %div3A_38 : vector<2000x1xf32> to vector<2000x128xf32>
    %sub3A_51 = arith.subf %get3A_32, %sub3A_50 : vector<2000x128xf32>
    %add3A_52 = arith.constant 9.99999974E-6 : f32
    %add3A_53 = vector.broadcast %add3A_52 : f32 to vector<2000x1xf32>
    %add3A_54 = arith.addf %div3A_49, %add3A_53 : vector<2000x1xf32>
    %rsqrt3A_55 = math.rsqrt %add3A_54 : vector<2000x1xf32>
    %mul3A_56 = vector.broadcast %rsqrt3A_55 : vector<2000x1xf32> to vector<2000x128xf32>
    %mul3A_57 = arith.mulf %sub3A_51, %mul3A_56 : vector<2000x128xf32>
    %mul3A_58 = vector.broadcast %get3A_1 : vector<1x128xf32> to vector<2000x128xf32>
    %mul3A_59 = arith.mulf %mul3A_57, %mul3A_58 : vector<2000x128xf32>
    %add3A_60 = vector.broadcast %get3A_4 : vector<1x128xf32> to vector<2000x128xf32>
    %add3A_61 = arith.addf %mul3A_59, %add3A_60 : vector<2000x128xf32>
    %concatenate3A = tpu.concatenate %add3A_29, %add3A_61 in 1 : vector<2000x128xf32>, vector<2000x128xf32> -> vector<2000x256xf32>
    %get3A_62 = arith.constant 0 : index
    %get3A_63 = arith.constant 0 : index
    %get3A_64 = vector.load %arg5[%get3A_62, %get3A_63] : memref<256x128xf32, #tpu.memory_space<vmem>>, vector<256x128xf32>
    %dot_general3A = arith.constant dense<0.000000e+00> : vector<2000x128xf32>
    %dot_general3A_65 = tpu.matmul %concatenate3A, %get3A_64, %dot_general3A {dimension_numbers = #tpu.dot_dimension_numbers<[1], [0], [0], [1], [0, 0, 1, 1], [], []>, transpose_lhs_hint = false} : vector<2000x256xf32>, vector<256x128xf32>, vector<2000x128xf32> -> vector<2000x128xf32>
    %convert_element_type3A = arith.truncf %dot_general3A_65 : vector<2000x128xf32> to vector<2000x128xbf16>
    %slice3A = vector.extract_strided_slice %convert_element_type3A {offsets = [0, 0], sizes = [2000, 64], strides = [1, 1]} : vector<2000x128xbf16> to vector<2000x64xbf16>
    %swap3A = arith.constant 0 : index
    %swap3A_66 = arith.constant 0 : index
    %swap3A_67 = arith.constant 0 : index
    %swap3A_68 = vector.load %arg6[%swap3A, %swap3A_66, %swap3A_67] : memref<2x2000x64xbf16, #tpu.memory_space<vmem>>, vector<1x2000x64xbf16>
    %swap3A_69 = vector.shape_cast %swap3A_68 : vector<1x2000x64xbf16> to vector<2000x64xbf16>
    %swap3A_70 = vector.shape_cast %slice3A : vector<2000x64xbf16> to vector<1x2000x64xbf16>
    tpu.vector_store %arg6[%swap3A, %swap3A_66, %swap3A_67], %swap3A_70 {strides = array<i32>} : memref<2x2000x64xbf16, #tpu.memory_space<vmem>>, vector<1x2000x64xbf16>,
    %slice3A_71 = vector.extract_strided_slice %convert_element_type3A {offsets = [0, 64], sizes = [2000, 64], strides = [1, 1]} : vector<2000x128xbf16> to vector<2000x64xbf16>
    %swap3A_72 = arith.constant 1 : index
    %swap3A_73 = arith.constant 0 : index
    %swap3A_74 = arith.constant 0 : index
    %swap3A_75 = vector.load %arg6[%swap3A_72, %swap3A_73, %swap3A_74] : memref<2x2000x64xbf16, #tpu.memory_space<vmem>>, vector<1x2000x64xbf16>
    %swap3A_76 = vector.shape_cast %swap3A_75 : vector<1x2000x64xbf16> to vector<2000x64xbf16>
    %swap3A_77 = vector.shape_cast %slice3A_71 : vector<2000x64xbf16> to vector<1x2000x64xbf16>
    tpu.vector_store %arg6[%swap3A_72, %swap3A_73, %swap3A_74], %swap3A_77 {strides = array<i32>} : memref<2x2000x64xbf16, #tpu.memory_space<vmem>>, vector<1x2000x64xbf16>,
    return
  }
  func.func @transform_0(%arg0: i32) -> (i32, i32) {
    %c0_i32 = arith.constant 0 : i32
    %c0_i32_0 = arith.constant 0 : i32
    return %arg0, %c0_i32 : i32, i32
  }
  func.func @transform_1(%arg0: i32) -> (i32, i32) {
    %c0_i32 = arith.constant 0 : i32
    %c0_i32_0 = arith.constant 0 : i32
    return %arg0, %c0_i32 : i32, i32
  }
  func.func @transform_2(%arg0: i32) -> (i32, i32) {
    %c0_i32 = arith.constant 0 : i32
    %c0_i32_0 = arith.constant 0 : i32
    %c0_i32_1 = arith.constant 0 : i32
    return %c0_i32, %c0_i32_0 : i32, i32
  }
  func.func @transform_3(%arg0: i32) -> (i32, i32) {
    %c0_i32 = arith.constant 0 : i32
    %c0_i32_0 = arith.constant 0 : i32
    %c0_i32_1 = arith.constant 0 : i32
    return %c0_i32, %c0_i32_0 : i32, i32
  }
  func.func @transform_4(%arg0: i32) -> (i32, i32) {
    %c0_i32 = arith.constant 0 : i32
    %c0_i32_0 = arith.constant 0 : i32
    %c0_i32_1 = arith.constant 0 : i32
    return %c0_i32, %c0_i32_0 : i32, i32
  }
  func.func @transform_5(%arg0: i32) -> (i32, i32, i32) {
    %c0_i32 = arith.constant 0 : i32
    %c0_i32_0 = arith.constant 0 : i32
    %c0_i32_1 = arith.constant 0 : i32
    return %c0_i32, %arg0, %c0_i32_0 : i32, i32, i32
  }
}

module attributes {stable_mosaic.version = 14 : i64} {
  func.func @_root_body(%arg0: i32, %arg1: memref<2000x128xf32, #tpu.memory_space<vmem>>, %arg2: memref<2000x128xf32, #tpu.memory_space<vmem>>, %arg3: memref<1x128xf32, #tpu.memory_space<vmem>>, %arg4: memref<1x128xf32, #tpu.memory_space<vmem>>, %arg5: memref<256x128xf32, #tpu.memory_space<vmem>>, %arg6: memref<1x128xf32, #tpu.memory_space<vmem>>, %arg7: memref<2000x128xf32, #tpu.memory_space<vmem>>) attributes {dimension_semantics = [#tpu.dimension_semantics<arbitrary>], iteration_bounds = array<i64: 5>, scalar_prefetch = 0 : i64, scratch_operands = 0 : i64, tpu.core_type = #tpu.core_type<tc>, window_params = [{transform_indices = @transform_0, window_bounds = array<i64: 2000, 128>}, {transform_indices = @transform_1, window_bounds = array<i64: 2000, 128>}, {pipeline_mode = #tpu.pipeline_mode<synchronous>, transform_indices = @transform_2, window_bounds = array<i64: 1, 128>}, {pipeline_mode = #tpu.pipeline_mode<synchronous>, transform_indices = @transform_3, window_bounds = array<i64: 1, 128>}, {pipeline_mode = #tpu.pipeline_mode<synchronous>, transform_indices = @transform_4, window_bounds = array<i64: 256, 128>}, {pipeline_mode = #tpu.pipeline_mode<synchronous>, transform_indices = @transform_5, window_bounds = array<i64: 1, 128>}, {transform_indices = @transform_6, window_bounds = array<i64: 2000, 128>}]} {
    %get3A = arith.constant 0 : index
    %get3A_0 = arith.constant 0 : index
    %get3A_1 = vector.load %arg3[%get3A, %get3A_0] : memref<1x128xf32, #tpu.memory_space<vmem>>, vector<1x128xf32>
    %get3A_2 = arith.constant 0 : index
    %get3A_3 = arith.constant 0 : index
    %get3A_4 = vector.load %arg4[%get3A_2, %get3A_3] : memref<1x128xf32, #tpu.memory_space<vmem>>, vector<1x128xf32>
    %get3A_5 = arith.constant 0 : index
    %get3A_6 = arith.constant 0 : index
    %get3A_7 = vector.load %arg1[%get3A_5, %get3A_6] : memref<2000x128xf32, #tpu.memory_space<vmem>>, vector<2000x128xf32>
    %reduce_sum3A = arith.constant dense<0.000000e+00> : vector<2000xf32>
    %reduce_sum3A_8 = vector.multi_reduction <add>, %get3A_7, %reduce_sum3A [1] : vector<2000x128xf32> to vector<2000xf32>
    %broadcast_in_dim3A = vector.shape_cast %reduce_sum3A_8 : vector<2000xf32> to vector<2000x1xf32>
    %div3A = arith.constant 1.280000e+02 : f32
    %div3A_9 = vector.broadcast %div3A : f32 to vector<2000x1xf32>
    %div3A_10 = arith.divf %broadcast_in_dim3A, %div3A_9 : vector<2000x1xf32>
    %sub3A = vector.broadcast %div3A_10 : vector<2000x1xf32> to vector<2000x128xf32>
    %sub3A_11 = arith.subf %get3A_7, %sub3A : vector<2000x128xf32>
    %sub3A_12 = vector.broadcast %div3A_10 : vector<2000x1xf32> to vector<2000x128xf32>
    %sub3A_13 = arith.subf %get3A_7, %sub3A_12 : vector<2000x128xf32>
    %mul3A = arith.mulf %sub3A_11, %sub3A_13 : vector<2000x128xf32>
    %reduce_sum3A_14 = arith.constant dense<0.000000e+00> : vector<2000xf32>
    %reduce_sum3A_15 = vector.multi_reduction <add>, %mul3A, %reduce_sum3A_14 [1] : vector<2000x128xf32> to vector<2000xf32>
    %broadcast_in_dim3A_16 = vector.shape_cast %reduce_sum3A_15 : vector<2000xf32> to vector<2000x1xf32>
    %div3A_17 = arith.constant 1.280000e+02 : f32
    %div3A_18 = vector.broadcast %div3A_17 : f32 to vector<2000x1xf32>
    %div3A_19 = arith.divf %broadcast_in_dim3A_16, %div3A_18 : vector<2000x1xf32>
    %sub3A_20 = vector.broadcast %div3A_10 : vector<2000x1xf32> to vector<2000x128xf32>
    %sub3A_21 = arith.subf %get3A_7, %sub3A_20 : vector<2000x128xf32>
    %add3A = arith.constant 9.99999974E-6 : f32
    %add3A_22 = vector.broadcast %add3A : f32 to vector<2000x1xf32>
    %add3A_23 = arith.addf %div3A_19, %add3A_22 : vector<2000x1xf32>
    %rsqrt3A = math.rsqrt %add3A_23 : vector<2000x1xf32>
    %mul3A_24 = vector.broadcast %rsqrt3A : vector<2000x1xf32> to vector<2000x128xf32>
    %mul3A_25 = arith.mulf %sub3A_21, %mul3A_24 : vector<2000x128xf32>
    %mul3A_26 = vector.broadcast %get3A_1 : vector<1x128xf32> to vector<2000x128xf32>
    %mul3A_27 = arith.mulf %mul3A_25, %mul3A_26 : vector<2000x128xf32>
    %add3A_28 = vector.broadcast %get3A_4 : vector<1x128xf32> to vector<2000x128xf32>
    %add3A_29 = arith.addf %mul3A_27, %add3A_28 : vector<2000x128xf32>
    %get3A_30 = arith.constant 0 : index
    %get3A_31 = arith.constant 0 : index
    %get3A_32 = vector.load %arg2[%get3A_30, %get3A_31] : memref<2000x128xf32, #tpu.memory_space<vmem>>, vector<2000x128xf32>
    %reduce_sum3A_33 = arith.constant dense<0.000000e+00> : vector<2000xf32>
    %reduce_sum3A_34 = vector.multi_reduction <add>, %get3A_32, %reduce_sum3A_33 [1] : vector<2000x128xf32> to vector<2000xf32>
    %broadcast_in_dim3A_35 = vector.shape_cast %reduce_sum3A_34 : vector<2000xf32> to vector<2000x1xf32>
    %div3A_36 = arith.constant 1.280000e+02 : f32
    %div3A_37 = vector.broadcast %div3A_36 : f32 to vector<2000x1xf32>
    %div3A_38 = arith.divf %broadcast_in_dim3A_35, %div3A_37 : vector<2000x1xf32>
    %sub3A_39 = vector.broadcast %div3A_38 : vector<2000x1xf32> to vector<2000x128xf32>
    %sub3A_40 = arith.subf %get3A_32, %sub3A_39 : vector<2000x128xf32>
    %sub3A_41 = vector.broadcast %div3A_38 : vector<2000x1xf32> to vector<2000x128xf32>
    %sub3A_42 = arith.subf %get3A_32, %sub3A_41 : vector<2000x128xf32>
    %mul3A_43 = arith.mulf %sub3A_40, %sub3A_42 : vector<2000x128xf32>
    %reduce_sum3A_44 = arith.constant dense<0.000000e+00> : vector<2000xf32>
    %reduce_sum3A_45 = vector.multi_reduction <add>, %mul3A_43, %reduce_sum3A_44 [1] : vector<2000x128xf32> to vector<2000xf32>
    %broadcast_in_dim3A_46 = vector.shape_cast %reduce_sum3A_45 : vector<2000xf32> to vector<2000x1xf32>
    %div3A_47 = arith.constant 1.280000e+02 : f32
    %div3A_48 = vector.broadcast %div3A_47 : f32 to vector<2000x1xf32>
    %div3A_49 = arith.divf %broadcast_in_dim3A_46, %div3A_48 : vector<2000x1xf32>
    %sub3A_50 = vector.broadcast %div3A_38 : vector<2000x1xf32> to vector<2000x128xf32>
    %sub3A_51 = arith.subf %get3A_32, %sub3A_50 : vector<2000x128xf32>
    %add3A_52 = arith.constant 9.99999974E-6 : f32
    %add3A_53 = vector.broadcast %add3A_52 : f32 to vector<2000x1xf32>
    %add3A_54 = arith.addf %div3A_49, %add3A_53 : vector<2000x1xf32>
    %rsqrt3A_55 = math.rsqrt %add3A_54 : vector<2000x1xf32>
    %mul3A_56 = vector.broadcast %rsqrt3A_55 : vector<2000x1xf32> to vector<2000x128xf32>
    %mul3A_57 = arith.mulf %sub3A_51, %mul3A_56 : vector<2000x128xf32>
    %mul3A_58 = vector.broadcast %get3A_1 : vector<1x128xf32> to vector<2000x128xf32>
    %mul3A_59 = arith.mulf %mul3A_57, %mul3A_58 : vector<2000x128xf32>
    %add3A_60 = vector.broadcast %get3A_4 : vector<1x128xf32> to vector<2000x128xf32>
    %add3A_61 = arith.addf %mul3A_59, %add3A_60 : vector<2000x128xf32>
    %concatenate3A = tpu.concatenate %add3A_29, %add3A_61 in 1 : vector<2000x128xf32>, vector<2000x128xf32> -> vector<2000x256xf32>
    %get3A_62 = arith.constant 0 : index
    %get3A_63 = arith.constant 0 : index
    %get3A_64 = vector.load %arg5[%get3A_62, %get3A_63] : memref<256x128xf32, #tpu.memory_space<vmem>>, vector<256x128xf32>
    %dot_general3A = arith.constant dense<0.000000e+00> : vector<2000x128xf32>
    %dot_general3A_65 = tpu.matmul %concatenate3A, %get3A_64, %dot_general3A {dimension_numbers = #tpu.dot_dimension_numbers<[1], [0], [0], [1], [0, 0, 1, 1], [], []>, transpose_lhs_hint = false} : vector<2000x256xf32>, vector<256x128xf32>, vector<2000x128xf32> -> vector<2000x128xf32>
    %get3A_66 = arith.constant 0 : index
    %get3A_67 = arith.constant 0 : index
    %get3A_68 = vector.load %arg6[%get3A_66, %get3A_67] : memref<1x128xf32, #tpu.memory_space<vmem>>, vector<1x128xf32>
    %add3A_69 = vector.broadcast %get3A_68 : vector<1x128xf32> to vector<2000x128xf32>
    %add3A_70 = arith.addf %dot_general3A_65, %add3A_69 : vector<2000x128xf32>
    %swap3A = arith.constant 0 : index
    %swap3A_71 = arith.constant 0 : index
    %swap3A_72 = vector.load %arg7[%swap3A, %swap3A_71] : memref<2000x128xf32, #tpu.memory_space<vmem>>, vector<2000x128xf32>
    tpu.vector_store %arg7[%swap3A, %swap3A_71], %add3A_70 {strides = array<i32>} : memref<2000x128xf32, #tpu.memory_space<vmem>>, vector<2000x128xf32>,
    return
  }
  func.func @transform_0(%arg0: i32) -> (i32, i32) {
    %c0_i32 = arith.constant 0 : i32
    %c0_i32_0 = arith.constant 0 : i32
    return %arg0, %c0_i32 : i32, i32
  }
  func.func @transform_1(%arg0: i32) -> (i32, i32) {
    %c0_i32 = arith.constant 0 : i32
    %c0_i32_0 = arith.constant 0 : i32
    return %arg0, %c0_i32 : i32, i32
  }
  func.func @transform_2(%arg0: i32) -> (i32, i32) {
    %c0_i32 = arith.constant 0 : i32
    %c0_i32_0 = arith.constant 0 : i32
    %c0_i32_1 = arith.constant 0 : i32
    return %c0_i32, %c0_i32_0 : i32, i32
  }
  func.func @transform_3(%arg0: i32) -> (i32, i32) {
    %c0_i32 = arith.constant 0 : i32
    %c0_i32_0 = arith.constant 0 : i32
    %c0_i32_1 = arith.constant 0 : i32
    return %c0_i32, %c0_i32_0 : i32, i32
  }
  func.func @transform_4(%arg0: i32) -> (i32, i32) {
    %c0_i32 = arith.constant 0 : i32
    %c0_i32_0 = arith.constant 0 : i32
    %c0_i32_1 = arith.constant 0 : i32
    return %c0_i32, %c0_i32_0 : i32, i32
  }
  func.func @transform_5(%arg0: i32) -> (i32, i32) {
    %c0_i32 = arith.constant 0 : i32
    %c0_i32_0 = arith.constant 0 : i32
    %c0_i32_1 = arith.constant 0 : i32
    return %c0_i32, %c0_i32_0 : i32, i32
  }
  func.func @transform_6(%arg0: i32) -> (i32, i32) {
    %c0_i32 = arith.constant 0 : i32
    %c0_i32_0 = arith.constant 0 : i32
    return %arg0, %c0_i32 : i32, i32
  }
}

module attributes {stable_mosaic.version = 14 : i64} {
  func.func @_combine_body(%arg0: i32, %arg1: memref<2000x128xf32, #tpu.memory_space<vmem>>, %arg2: memref<1x2000x64xbf16, #tpu.memory_space<vmem>>, %arg3: memref<1x2000x64xbf16, #tpu.memory_space<vmem>>, %arg4: memref<2000x128xf32, #tpu.memory_space<vmem>>) attributes {dimension_semantics = [#tpu.dimension_semantics<arbitrary>], iteration_bounds = array<i64: 5>, scalar_prefetch = 0 : i64, scratch_operands = 0 : i64, tpu.core_type = #tpu.core_type<tc>, window_params = [{transform_indices = @transform_0, window_bounds = array<i64: 2000, 128>}, {transform_indices = @transform_1, window_bounds = array<i64: 1, 2000, 64>}, {transform_indices = @transform_2, window_bounds = array<i64: 1, 2000, 64>}, {transform_indices = @transform_3, window_bounds = array<i64: 2000, 128>}]} {
    %get3A = arith.constant 0 : index
    %get3A_0 = arith.constant 0 : index
    %get3A_1 = arith.constant 0 : index
    %get3A_2 = vector.load %arg2[%get3A, %get3A_0, %get3A_1] : memref<1x2000x64xbf16, #tpu.memory_space<vmem>>, vector<1x2000x64xbf16>
    %get3A_3 = vector.shape_cast %get3A_2 : vector<1x2000x64xbf16> to vector<2000x64xbf16>
    %get3A_4 = arith.constant 0 : index
    %get3A_5 = arith.constant 0 : index
    %get3A_6 = arith.constant 0 : index
    %get3A_7 = vector.load %arg3[%get3A_4, %get3A_5, %get3A_6] : memref<1x2000x64xbf16, #tpu.memory_space<vmem>>, vector<1x2000x64xbf16>
    %get3A_8 = vector.shape_cast %get3A_7 : vector<1x2000x64xbf16> to vector<2000x64xbf16>
    %concatenate3A = tpu.concatenate %get3A_3, %get3A_8 in 1 : vector<2000x64xbf16>, vector<2000x64xbf16> -> vector<2000x128xbf16>
    %convert_element_type3A = arith.extf %concatenate3A : vector<2000x128xbf16> to vector<2000x128xf32>
    %get3A_9 = arith.constant 0 : index
    %get3A_10 = arith.constant 0 : index
    %get3A_11 = vector.load %arg1[%get3A_9, %get3A_10] : memref<2000x128xf32, #tpu.memory_space<vmem>>, vector<2000x128xf32>
    %add3A = arith.addf %get3A_11, %convert_element_type3A : vector<2000x128xf32>
    %swap3A = arith.constant 0 : index
    %swap3A_12 = arith.constant 0 : index
    %swap3A_13 = vector.load %arg4[%swap3A, %swap3A_12] : memref<2000x128xf32, #tpu.memory_space<vmem>>, vector<2000x128xf32>
    tpu.vector_store %arg4[%swap3A, %swap3A_12], %add3A {strides = array<i32>} : memref<2000x128xf32, #tpu.memory_space<vmem>>, vector<2000x128xf32>,
    return
  }
  func.func @transform_0(%arg0: i32) -> (i32, i32) {
    %c0_i32 = arith.constant 0 : i32
    %c0_i32_0 = arith.constant 0 : i32
    return %arg0, %c0_i32 : i32, i32
  }
  func.func @transform_1(%arg0: i32) -> (i32, i32, i32) {
    %c0_i32 = arith.constant 0 : i32
    %c0_i32_0 = arith.constant 0 : i32
    %c0_i32_1 = arith.constant 0 : i32
    return %c0_i32, %arg0, %c0_i32_0 : i32, i32, i32
  }
  func.func @transform_2(%arg0: i32) -> (i32, i32, i32) {
    %c1_i32 = arith.constant 1 : i32
    %c0_i32 = arith.constant 0 : i32
    %c0_i32_0 = arith.constant 0 : i32
    return %c1_i32, %arg0, %c0_i32 : i32, i32, i32
  }
  func.func @transform_3(%arg0: i32) -> (i32, i32) {
    %c0_i32 = arith.constant 0 : i32
    %c0_i32_0 = arith.constant 0 : i32
    return %arg0, %c0_i32 : i32, i32
  }
}

</mosaic_0001>

<sc_bundles>
// kernel: kernel.6.cloned.1.call-start
scs
__scs_entry_jumppad:
0x0: {  	(pc) =	sbr.rel $0x88, $3  }
0x1: {  	(tag) =	ssettag $0x0;
	lr =	simm.s32 $0x1  }
0x2: {  	[smem:$0x3F99] =	sst lr;
	_ =	strace $0xD0000000  }
0x3: {  	_ = 	snop  }
0x4: {  	_ = 	snop  }
0x5: {  	_ = 	snop  }
0x6: {  	_ = 	snop  }
0x7: {  	_ = 	snop  }
__scs_overlays_trampoline_lowered:
0x8: {  	[smem:$0x3FA8] =	sst s0  }
0x9: {  	[smem:$0x3FA9] =	sst s1  }
0xa: {  	[smem:$0x3FAA] =	sst s2  }
0xb: {  	[smem:$0x3FAB] =	sst s3  }
0xc: {  	[smem:$0x3FAC] =	sst s4  }
0xd: {  	[smem:$0x3FAD] =	sst s5  }
0xe: {  	[smem:$0x3FAE] =	sst s6  }
0xf: {  	[smem:$0x3FAF] =	sst s7  }
0x10: {  	[smem:$0x3FB0] =	sst s8  }
0x11: {  	[smem:$0x3FB1] =	sst s9;
	s0 =	simm.s32 @!p0 $0x0  }
0x12: {  	s1 =	sld [smem:$0x3F97];
	s0 =	simm.s32 @p0 $0x1  }
0x13: {  	[smem:$0x3FB2] =	sst s0;
	s0 =	simm.s32 @!p1 $0x0  }
0x14: {  	s2 =	sld [smem:$0x3F96];
	s0 =	simm.s32 @p1 $0x1  }
0x15: {  	[smem:$0x3FB3] =	sst s0;
	s0 =	simm.s32 @!p2 $0x0  }
0x16: {  	s3 =	sld [smem:$0x3FDB];
	s0 =	simm.s32 @p2 $0x1  }
0x17: {  	s4 =	simm.s32 $0x1BF5;
	[smem:$0x3FB5] =	sst s0  }
0x18: {  	s0 =	sld [smem:$0x3F98];
	_ =	swait.ge [sflag:s4], $0x0  }
0x19: {  	s7 =	sld [smem:$0x3F99]  }
0x1a: {  	s8 =	sadd.s32 $0xFFFFE003, lr  }
0x1b: {  	s9 =	sadd.s32 $0xFFFFFEF7, lr;
	s5 =	simm.s32 $0xFFFFFFFF;
	p2 =	slt.u32 s8, $0xFFFFF086  }
0x1c: {  	p1 =	slt.u32 s9, $0xF7A;
	s5 =	simm.s32 @!p2 $0x0  }
0x1d: {  	s5 =	simm.s32 @p1 $0x1;
	p0 =	seq.s32 s7, s2  }
0x1e: {  	s7 =	smul.u32 @!p0 $0xF7A, s2;
	p2 =	seq.s32 @!p0 s5, $0x0  }
0x1f: {  	s9 =	smul.u32 $0xF7A, s1;
	s8 =	simm.s32 @!p0 $0x1BF5;
	p2 =	por !p2, p0  }
0x20: {  	[sflag:s8] =	ssyncset.s32 @!p0 $0xFFFFF086;
	s6 =	sadd.s32 @!p0 s3, s7;
	s7 =	simm.s32 @!p0 $0x108  }
0x21: {  	s3 =	sadd.s32 s3, s9;
	s6 =	sadd.s32 @!p0 $0x88, s6;
	s7 =	simm.s32 @p2 $0x1082  }
0x22: {  	[simem:s7], [sflag:s8] =	dma.local @!p0 [hbm:s6], $0xF7A  }
0x23: {  	s9 =	sor.u32 $0xD0000000, s2;
	s6 =	simm.s32 $0x108;
	_ =	swait.ge @!p0 [sflag:s8], $0x0  }
0x24: {  	s3 =	sadd.s32 $0x88, s3;
	s6 =	simm.s32 @!p1 $0x1082;
	[sflag:s4] =	ssyncset.s32 $0xFFFFF086  }
0x25: {  	[simem:s6], [sflag:s4] =	dma.local [hbm:s3], $0xF7A  }
0x26: {  	[smem:$0x3F99] =	sst s1;
	(tag) =	ssettag s2;
	_ =	strace s9  }
0x27: {  	s1 =	sld [smem:$0x3FA9]  }
0x28: {  	s2 =	sld [smem:$0x3FAA]  }
0x29: {  	s4 =	sld [smem:$0x3FAC]  }
0x2a: {  	p0 =	seq.s32 s5, $0x0;
	s5 =	sld [smem:$0x3FAD]  }
0x2b: {  	s6 =	sld [smem:$0x3FAE]  }
0x2c: {  	s7 =	sld [smem:$0x3FAF]  }
0x2d: {  	s3 =	simm.s32 $0x108;
	s8 =	sld [smem:$0x3FB0]  }
0x2e: {  	s3 =	simm.s32 @!p0 $0x1082;
	s9 =	sld [smem:$0x3FB1]  }
0x2f: {  	lr =	sadd.s32 s0, s3;
	s0 =	sld [smem:$0x3FA8]  }
0x30: {  	s3 =	sld [smem:$0x3FAB]  }
0x31: {  	[smem:$0x3FB4] =	sst s10  }
0x32: {  	s10 =	sld [smem:$0x3FB2];
	_ =	sdelay $0x3  }
0x33: {  	p0 =	seq.s32 s10, $0x1;
	s10 =	sld [smem:$0x3FB4];
	_ =	sdelay $0x3  }
0x34: {  	[smem:$0x3FB4] =	sst s10  }
0x35: {  	s10 =	sld [smem:$0x3FB3];
	_ =	sdelay $0x3  }
0x36: {  	p1 =	seq.s32 s10, $0x1;
	s10 =	sld [smem:$0x3FB4];
	_ =	sdelay $0x3  }
0x37: {  	[smem:$0x3FB4] =	sst s10  }
0x38: {  	s10 =	sld [smem:$0x3FB5]  }
0x39: {  	_ = 	snop;
	(pc) =	sbr.ind lr, $3  }
0x3a: {  	_ = 	snop  }
0x3b: {  	_ = 	snop  }
0x3c: {  	p2 =	seq.s32 s10, $0x1;
	s10 =	sld [smem:$0x3FB4]  }
0x3d: {  	_ =	shalt  }
0x3e: {  	_ =	shalt  }
0x3f: {  	_ =	shalt  }
0x40: {  	_ =	shalt  }
0x41: {  	_ =	shalt  }
0x42: {  	_ =	shalt  }
0x43: {  	_ =	shalt  }
0x44: {  	_ =	shalt  }
0x45: {  	_ =	shalt  }
0x46: {  	_ =	shalt  }
0x47: {  	_ =	shalt  }
0x48: {  	_ =	shalt  }
0x49: {  	_ =	shalt  }
0x4a: {  	_ =	shalt  }
0x4b: {  	_ =	shalt  }
0x4c: {  	_ =	shalt  }
0x4d: {  	_ =	shalt  }
0x4e: {  	_ =	shalt  }
0x4f: {  	_ =	shalt  }
0x50: {  	_ =	shalt  }
0x51: {  	_ =	shalt  }
0x52: {  	_ =	shalt  }
0x53: {  	_ =	shalt  }
0x54: {  	_ =	shalt  }
0x55: {  	_ =	shalt  }
0x56: {  	_ =	shalt  }
0x57: {  	_ =	shalt  }
0x58: {  	_ =	shalt  }
0x59: {  	_ =	shalt  }
0x5a: {  	_ =	shalt  }
0x5b: {  	_ =	shalt  }
0x5c: {  	_ =	shalt  }
0x5d: {  	_ =	shalt  }
0x5e: {  	_ =	shalt  }
0x5f: {  	_ =	shalt  }
0x60: {  	_ =	shalt  }
0x61: {  	_ =	shalt  }
0x62: {  	_ =	shalt  }
0x63: {  	_ =	shalt  }
0x64: {  	_ =	shalt  }
0x65: {  	_ =	shalt  }
0x66: {  	_ =	shalt  }
0x67: {  	_ =	shalt  }
0x68: {  	_ =	shalt  }
0x69: {  	_ =	shalt  }
0x6a: {  	_ =	shalt  }
0x6b: {  	_ =	shalt  }
0x6c: {  	_ =	shalt  }
0x6d: {  	_ =	shalt  }
0x6e: {  	_ =	shalt  }
0x6f: {  	_ =	shalt  }
0x70: {  	_ =	shalt  }
0x71: {  	_ =	shalt  }
0x72: {  	_ =	shalt  }
0x73: {  	_ =	shalt  }
0x74: {  	_ =	shalt  }
0x75: {  	_ =	shalt  }
0x76: {  	_ =	shalt  }
0x77: {  	_ =	shalt  }
0x78: {  	_ =	shalt  }
0x79: {  	_ =	shalt  }
0x7a: {  	_ =	shalt  }
0x7b: {  	_ =	shalt  }
0x7c: {  	_ =	shalt  }
0x7d: {  	_ =	shalt  }
0x7e: {  	_ =	shalt  }
0x7f: {  	_ =	shalt  }
0x80: {  	_ =	shalt  }
0x81: {  	_ =	shalt  }
0x82: {  	_ =	shalt  }
0x83: {  	_ =	shalt  }
0x84: {  	_ =	shalt  }
0x85: {  	_ =	shalt  }
0x86: {  	_ =	shalt  }
0x87: {  	_ =	shalt  }
.Lfunc_end0:
.L_simem_size_0:
called_computation_lowered:
.L_overlay_start_0:
0x88: {  	s2 =	sld [smem:$0x3FD9]  }
0x89: {  	s3 =	sld [smem:$0x3FFE];
	_ =	sdelay $0x1  }
0x8a: {  	s1 =	srdreg.scid  }
0x8b: {  	s0 =	sand.u32 $0x1, s1  }
0x8c: {  	s17 =	sshll.u32 s0, $0xA;
	s2 =	sadd.s32 s3, s2  }
0x8d: {  	s2 =	sadd.s32 s2, s17  }
0x8e: {  	[smem:$0x3FC0] =	sst s2  }
0x8f: {  	_ = 	snop  }
0x90: {  	s2 =	sld [smem:$0x3FD0];
	(tm) =	ssettm $0x1  }
0x91: {  	s18 =	sld [smem:$0x3FFB];
	_ =	sdelay $0x3  }
0x92: {  	_ =	strace s18  }
0x93: {  	s3 =	sld [smem:$0x3FFC];
	_ =	sdelay $0x3  }
0x94: {  	_ =	strace s3  }
0x95: {  	s3 =	sld [smem:$0x3FFD];
	_ =	sdelay $0x3  }
0x96: {  	_ =	strace s3  }
0x97: {  	_ =	strace $0x8FFFFFFF  }
0x98: {  	s19 =	sld [smem:$0x3FDB];
	_ =	sdelay $0x1  }
0x99: {  	s4 =	simm.s32 $_scs_section_size  }
0x9a: {  	s5 =	simm.s32 $_size__tile_overlayer_lowered;
	s6 =	simm.s32 $_tile_overlayer_lowered  }
0x9b: {  	s22 =	simm.s32 $0x1BFF;
	s21 =	sshll.u32 s6, $0x1;
	s3 =	sadd.s32 s4, s19  }
0x9c: {  	s7 =	simm.s32 $0x0;
	s20 =	sshll.u32 s5, $0x1;
	s5 =	sadd.s32 s21, s3  }
0x9d: {  	[timem:s7], [sflag:s22] =	dma.local [hbm:s5], s20  }
0x9e: {  	_ =	swait.ge [sflag:s22], s20  }
0x9f: {  	s4 =	ssub.s32 $0x0, s20;
	[sflag:s22] =	ssyncset.done $0x0  }
0xa0: {  	[sflag:s22] =	ssyncadd.s32 s4;
	_ =	sdelay $0x1  }
0xa1: {  	s23 =	simm.s32 $0x1B8B  }
0xa2: {  	_ =	swait.ge [sflag:s23], $0x1  }
0xa3: {  	[sflag:s23] =	ssyncset.done $0x0  }
0xa4: {  	s25 =	simm.s32 $0x1B8E;
	s24 =	sld [smem:$0x3FFE];
	[sflag:s23] =	ssyncadd.s32 $0xFFFFFFFF  }
0xa5: {  	s26 =	simm.s32 $execute0_lowered;
	[smem:$0x3FD2] =	sst s25  }
0xa6: {  	s5 =	sshll.u32 s26, $0x1;
	_ =	strace $0x80000046;
	[dreg:$0x1] =	wrdreg $0xFFFFFFFF  }
0xa7: {  	s28 =	simm.s32 $_size_execute0_lowered;
	s3 =	sadd.s32 s3, s5;
	[dreg:$0x0] =	wrdreg $0x0  }
0xa8: {  	s5 =	sshll.u32 s28, $0x1;
	[dreg:$0x2] =	wrdreg s3  }
0xa9: {  	[dreg:$0x3] =	wrdreg s5  }
0xaa: {  	[dreg:$0x4] =	wrdreg $0xC0  }
0xab: {  	_ =	task [dreg:s7], $0x5FFFF  }
0xac: {  	[dreg:$0x1] =	wrdreg $0xFFFFFFFF  }
0xad: {  	[dreg:$0x0] =	wrdreg $0x60  }
0xae: {  	[dreg:$0x2] =	wrdreg s24  }
0xaf: {  	[dreg:$0x3] =	wrdreg s2  }
0xb0: {  	[dreg:$0x4] =	wrdreg $0xD8400  }
0xb1: {  	[dreg:$0x5] =	wrdreg $0x9  }
0xb2: {  	_ =	task.clear_ibuf [dreg:s7], $0x6FFFF;
	_ =	strace $0x90000046  }
0xb3: {  	s29 =	simm.s32 $0x9;
	_ =	strace $0x80000048  }
0xb4: {  	_ =	swait.ge [sflag:s29], $0x1  }
0xb5: {  	[sflag:s29] =	ssyncadd.s32 $0xFFFFFFFF  }
0xb6: {  	_ =	strace $0x90000048  }
0xb7: {  	_ =	sfence  }
0xb8: {  	s30 =	sld [smem:$0x0];
	_ =	sdelay $0x2  }
0xb9: {  	s31 =	sshll.u32 s1, $0xD;
	s1 =	sshrl.u32 s1, $0x2  }
0xba: {  	s3 =	sand.u32 $0x4000, s31;
	s1 =	sadd.s32 s1, s30  }
0xbb: {  	s0 =	sor.u32 s3, s0;
	s1 =	sshll.u32 s1, $0x11  }
0xbc: {  	s0 =	sor.u32 s1, s0  }
0xbd: {  	s0 =	sadd.s32 $0x8F2B, s0  }
0xbe: {  	[sflag:s0] =	ssyncadd.remote.s32 $0x1  }
0xbf: {  	_ =	sfence.sel $0xFFFF  }
0xc0: {  	[dreg:$0x0] =	wrdreg $0xFFFFFFFF;
	(pc) =	sbr.abs _section_cstart, $3  }
0xc1: {  	[dreg:$0x1] =	wrdreg $0xFFFFFFFF  }
0xc2: {  	_ =	task.clear_ibuf [dreg:s7], $0x2FFFF;
	_ =	strace $0x9FFFFFFF  }
0xc3: {  	(tm) =	ssettm $0x7FFFFFFF  }
tec
execute0_lowered:
.L_overlay_start_1:
0x0: {  	(tag) =	ssettag $0x1  }
0x1: {  	s4 =	rddreg [dreg:$0x0]  }
0x2: {  	s8 =	rddreg [dreg:$0x1]  }
0x3: {  	s1 =	rddreg [dreg:$0x2];
	s2 =	srdreg.scid  }
0x4: {  	s0 =	rddreg [dreg:$0x3];
	s3 =	simm.s32 $0x0;
	s14 =	simm.s32 $0x9C40  }
0x5: {  	s15 =	simm.s32 $0xA640;
	s16 =	simm.s32 $0xA0;
	s17 =	simm.s32 $0xB040  }
0x6: {  	s18 =	simm.s32 $0xF0;
	s19 =	simm.s32 $0xBA40;
	s5 =	sand.u32 $0x1, s2  }
0x7: {  	s20 =	simm.s32 $0x1;
	s2 =	stileid.u32;
	s6 =	smul.u32 $0x9C80, s5  }
0x8: {  	s21 =	simm.s32 $0x2;
	[smem:$0x7FF] =	sst s3;
	s7 =	smul.u32 $0x4E20, s2  }
0x9: {  	s22 =	simm.s32 $0x0;
	_ =	strace $0x80000047;
	s9 =	smul.u32 $0x9E00, s2  }
0xa: {  	s29 =	ssub.s32 $0x2, s5;
	s5 =	smul.u32 $0x9E000, s5;
	s31 =	sshll.u32 s2, $0x6  }
0xb: {  	s12 =	sshrl.u32 s29, $0x1;
	s10 =	sadd.s32 s6, s4;
	s28 =	sshrl.u32 s7, $0x3  }
0xc: {  	s11 =	sshrl.u32 s9, $0x4;
	s12 =	ssub.s32 s29, s12;
	s30 =	sshrl.u32 s9, $0x1  }
0xd: {  	s9 =	sadd.s32 s9, s5;
	s6 =	sadd.s32 s28, s4;
	s11 =	sadd.s32 s11, s4  }
0xe: {  	s13 =	sadd.s32 s30, s1;
	s9 =	sshrl.u32 s9, $0x4;
	s7 =	sadd.s32 $0x1400, s10  }
0xf: {  	s10 =	simm.s32 $0x3;
	s4 =	sadd.s32 $0x1EC00, s6;
	s5 =	sadd.s32 $0x28840, s6  }
0x10: {  	s6 =	sadd.s32 $0x14E00, s11;
	s8 =	sadd.s32 s8, s9;
	s9 =	smax.u32 s12, $0x1  }
0x11: {  	s11 =	sor.u32 $0x1C03, s31;
	s12 =	sshrl.u32 s13, $0x3;
	s13 =	simm.s32 $0x50  }
.LBB2_1:
0x12: {  	[tilespmem:s3], [sflag:$0x3] =	stream.linear.gather [hbm4b:s4+s3], $0x4E20, $0x38;
	[tilespmem:$0x12740] =	vst v63  }
0x13: {  	_ =	swait.ge [sflag:s10], $0x4E20  }
0x14: {  	[sflag:s10] =	ssyncset.done $0x0  }
0x15: {  	s23 =	simm.s32 $0x4E20;
	[sflag:s10] =	ssyncadd.s32 $0xFFFFB1E0  }
0x16: {  	[tilespmem:s23], [sflag:$0x3] =	stream.linear.gather [hbm4b:s5+s3], $0x4E20, $0x38;
	[tilespmem:$0x12740] =	vst v63  }
0x17: {  	_ =	swait.ge [sflag:s10], $0x4E20  }
0x18: {  	[sflag:s10] =	ssyncset.done $0x0  }
0x19: {  	[sflag:s10] =	ssyncadd.s32 $0xFFFFB1E0  }
0x1a: {  	[spmem:s12], [sflag:s11] =	dma.local [hbm:s6], $0x9E0  }
0x1b: {  	_ =	swait.ge [sflag:s10], $0x9E0  }
0x1c: {  	[sflag:s10] =	ssyncset.done $0x0  }
0x1d: {  	[sflag:s10] =	ssyncadd.s32 $0xFFFFF620  }
0x1e: {  	[bflag:$0x0] =	sbarrier.arrive $0xFFFF  }
0x1f: {  	[tilespmem:s14], [sflag:$0x1] =	stream.indirect.gather [hbm4b:s7+s13], $0x20, s3, s13, $0xb8;
	[tilespmem:$0x12740] =	vst v63  }
0x20: {  	_ = 	snop  }
0x21: {  	[tilespmem:s15], [sflag:$0x1] =	stream.indirect.gather [hbm4b:s7+s13], $0x20, s13, s13, $0xb8;
	[tilespmem:$0x12740] =	vst v63  }
0x22: {  	_ = 	snop  }
0x23: {  	[tilespmem:s17], [sflag:$0x1] =	stream.indirect.gather [hbm4b:s7+s13], $0x20, s16, s13, $0xb8;
	[tilespmem:$0x12740] =	vst v63  }
0x24: {  	s24 =	simm.s32 $0x140;
	s25 =	simm.s32 $0x0  }
0x25: {  	[tilespmem:s19], [sflag:$0x1] =	stream.indirect.gather [hbm4b:s7+s13], $0x20, s18, s13, $0xb8;
	[tilespmem:$0x12740] =	vst v63  }
.LBB2_2:
0x26: {  	p0 =	slt.u32 s25, $0x2  }
0x27: {  	s26 =	simm.s32 @!p0 $0x2  }
0x28: {  	p1 =	sgt.u32 @!p0 s25, $0xF5;
	_ =	swait.ge @!p0 [sflag:s26], $0xA00  }
0x29: {  	p1 =	por p0, !p1;
	[sflag:s26] =	ssyncset.done @!p0 $0x0  }
0x2a: {  	[sflag:s26] =	ssyncadd.s32 @!p0 $0xFFFFF600;
	s26 =	sadd.s32 @p1 $0x4, s25  }
0x2b: {  	s28 =	smul.u32 @p1 $0xAB, s26;
	_ =	sdelay $0x1  }
0x2c: {  	s28 =	sshrl.u32 @p1 s28, $0xA  }
0x2d: {  	s28 =	sand.u32 @p1 $0x3F, s28  }
0x2e: {  	s28 =	smul.u32 @p1 $0x6, s28;
	_ =	sdelay $0x1  }
0x2f: {  	s26 =	ssub.s32 @p1 s26, s28  }
0x30: {  	s26 =	sand.u32 @p1 $0xFF, s26  }
0x31: {  	s26 =	smul.u32 @p1 $0x2800, s26;
	_ =	sdelay $0x1  }
0x32: {  	s26 =	sshrl.u32 @p1 s26, $0x2  }
0x33: {  	s31 =	smul.u32 $0xAB, s25;
	s26 =	sadd.s32 @p1 $0x9C40, s26  }
0x34: {  	[tilespmem:s26], [sflag:$0x1] =	stream.indirect.gather @p1 [hbm4b:s7+s13], $0x20, s24, s13, $0xb8;
	[tilespmem:$0x12740] =	vst v63  }
0x35: {  	s26 =	sshrl.u32 s31, $0xA  }
0x36: {  	s26 =	sand.u32 $0x3F, s26  }
0x37: {  	s26 =	smul.u32 $0x6, s26;
	_ =	sdelay $0x1  }
0x38: {  	s26 =	ssub.s32 s25, s26  }
0x39: {  	s25 =	sadd.s32 $0x1, s25;
	s26 =	sand.u32 $0xFF, s26  }
0x3a: {  	p0 =	sne.s32 s25, $0xFA;
	s26 =	smul.u32 $0x2800, s26  }
.Ltmp0:
0x3b: {  	_ =	swait.ge [sflag:s20], $0xA00;
	(pc) =	sbr.rel @p0 .LBB2_2-.Ltmp0, $4  }
0x3c: {  	[sflag:s20] =	ssyncset.done $0x0;
	s26 =	sshrl.u32 s26, $0x2  }
0x3d: {  	[sflag:s20] =	ssyncadd.s32 $0xFFFFF600;
	s26 =	sadd.s32 $0x9C40, s26  }
0x3e: {  	[spmem:s1] =	stream.indirect.scatter.add.bf16 [tilespmem:s26], [sflag:$0x2], $0x20, s23, s13, $0xb8;
	[tilespmem:$0x12740] =	vst v63  }
0x3f: {  	s24 =	sadd.s32 $0x50, s24;
	s23 =	sadd.s32 $0x50, s23  }
0x40: {  	_ =	swait.ge [sflag:s21], $0xA00  }
0x41: {  	[sflag:s21] =	ssyncset.done $0x0  }
0x42: {  	[sflag:s21] =	ssyncadd.s32 $0xFFFFF600  }
0x43: {  	_ =	swait.ge [sflag:s21], $0xA00  }
0x44: {  	s22 =	sadd.s32 $0x1, s22;
	[sflag:s21] =	ssyncset.done $0x0  }
0x45: {  	p0 =	sne.s32 s22, s9;
	[sflag:s21] =	ssyncadd.s32 $0xFFFFF600  }
.Ltmp1:
0x46: {  	[bflag:$0x0] =	sbarrier.arrive $0xFFFF;
	(pc) =	sbr.rel @p0 .LBB2_1-.Ltmp1, $4  }
0x47: {  	[hbm:s8], [sflag:s11] =	dma.local [spmem:s12], $0x9E0  }
0x48: {  	_ =	swait.ge [sflag:s10], $0x9E0  }
0x49: {  	[sflag:s10] =	ssyncset.done $0x0  }
0x4a: {  	[sflag:s10] =	ssyncadd.s32 $0xFFFFF620  }
0x4b: {  	_ =	sfence.sel $0x180000  }
0x4c: {  	[bflag:$0x0] =	sbarrier.arrive $0xFFFF  }
0x4d: {  	p0 =	sne.s32 s2, $0x0;
	_ =	strace $0x90000047  }
0x4e: {  	s0 =	sadd.s32 @!p0 $0x100000, s0;
	[bflag:$0x2] =	sbarrier.arrive $0xFFFF  }
0x4f: {  	[sflag:s0] =	ssyncadd.tile.s32 @!p0 $0x1;
	_ =	shalt  }
.Lfunc_end2:
_tile_overlayer_lowered:
.L_overlay_start_2:
0x50: {  	(tag) =	ssettag $0x2  }
0x51: {  	s0 =	rddreg [dreg:$0x0];
	s2 =	stileid.u32  }
0x52: {  	s1 =	rddreg [dreg:$0x1];
	p0 =	sne.s32 s2, $0x0  }
0x53: {  	s3 =	rddreg [dreg:$0x2];
	[bflag:$0x3] =	sbarrier.arrive $0xFFFF;
	s2 =	simm.s32 @!p0 $0x1C03  }
0x54: {  	[timem:s3], [sflag:s2] =	dma.local @!p0 [hbm:s0], s1  }
0x55: {  	s0 =	simm.s32 @!p0 $0x3  }
0x56: {  	_ =	swait.ge @!p0 [sflag:s0], s1  }
0x57: {  	s1 =	ssub.s32 @!p0 $0x0, s1;
	[sflag:s0] =	ssyncset.done @!p0 $0x0  }
0x58: {  	[sflag:s0] =	ssyncadd.s32 @!p0 s1  }
0x59: {  	[bflag:$0x3] =	sbarrier.arrive $0xFFFF  }
0x5a: {  	_ =	shalt  }

</sc_bundles>
